<compile_context>
chip_gen: v7x
topology: tpu7x:2x2x1
jax: 0.10.2.dev20260603
libtpu: 0.0.44.dev20260713+nightly
codegen_flags: <defaults>
</compile_context>

<pallas_src>
import functools
import jax
import jax.numpy as jnp
from jax import lax
from jax.experimental import pallas as pl
from jax.experimental.pallas import tpu as pltpu
from jax.experimental.pallas import tpu_sc as plsc

N = 10000
NPAD = 10240
E = 320000
K = 128
NC, NS = 2, 16
NW = NC * NS
CPW = 80
HB = 40
NCHUNK = NW * CPW
EPAD = NCHUNK * K
ROWS_PER_SUB = NPAD // NS


def _sc_body(with_deg, x_hbm, src_hbm, dst_hbm, zrow_hbm, zone_hbm,
             *refs):
    if with_deg:
        (acc_out, deg_out, src_l, dst_l, rows0, rows1,
         ones_v, semg0, sems0, semg1, sems1, semd, acc_sh, deg_sh) = refs
    else:
        (acc_out, src_l, dst_l, rows0, rows1,
         semg0, sems0, semg1, sems1, acc_sh) = refs
    c = lax.axis_index("c")
    s = lax.axis_index("s")
    w = s * NC + c

    pltpu.sync_copy(zrow_hbm, acc_sh.at[pl.ds(s * ROWS_PER_SUB, ROWS_PER_SUB)])
    if with_deg:
        pltpu.sync_copy(zone_hbm, deg_sh.at[pl.ds(s * ROWS_PER_SUB, ROWS_PER_SUB)])
        for j in range(K // 16):
            ones_v[pl.ds(j * 16, 16)] = jnp.ones((16,), jnp.float32)
    plsc.subcore_barrier()

    bufs = ((rows0, semg0, sems0), (rows1, semg1, sems1))

    def gather(t, b):
        return pltpu.make_async_copy(x_hbm.at[src_l.at[t]], bufs[b][0],
                                     bufs[b][1])

    def scatter_start(t, b):
        pltpu.async_copy(bufs[b][0], acc_sh.at[dst_l.at[t]], bufs[b][2],
                         add=True)
        if with_deg:
            pltpu.async_copy(ones_v, deg_sh.at[dst_l.at[t]], semd,
                             add=True)

            @pl.when(t - 2 >= 0)
            def _():
                pltpu.make_async_copy(ones_v, deg_sh.at[dst_l.at[t - 2]],
                                      semd).wait()

    def scatter_wait(t, b):
        pltpu.make_async_copy(bufs[b][0], acc_sh.at[dst_l.at[t]],
                              bufs[b][2]).wait()
        if with_deg:
            @pl.when(t + 2 >= HB)
            def _():
                pltpu.make_async_copy(ones_v, deg_sh.at[dst_l.at[t]],
                                      semd).wait()

    def step(tcur, bcur, tnext):
        bnext = 1 - bcur
        gather(tcur, bcur).wait()
        scatter_start(tcur, bcur)

        @pl.when(tnext < HB)
        def _():
            @pl.when(tnext - 2 >= 0)
            def _():
                scatter_wait(tnext - 2, bnext)
            gather(tnext, bnext).start()

    def pair(i, carry):
        t0 = 2 * i
        step(t0, 0, t0 + 1)
        step(t0 + 1, 1, t0 + 2)
        return carry

    for h in range(CPW // HB):
        base = w * CPW + h * HB
        pltpu.sync_copy(src_hbm.at[pl.ds(base, HB)], src_l)
        pltpu.sync_copy(dst_hbm.at[pl.ds(base, HB)], dst_l)
        gather(0, 0).start()
        lax.fori_loop(0, HB // 2, pair, 0)
        scatter_wait(HB - 2, 0)
        scatter_wait(HB - 1, 1)
    plsc.subcore_barrier()

    sl = pl.ds(s * ROWS_PER_SUB, ROWS_PER_SUB)
    pltpu.sync_copy(acc_sh.at[sl], acc_out.at[c, sl])
    if with_deg:
        pltpu.sync_copy(deg_sh.at[sl], deg_out.at[c, sl])


def _make_sc_call(with_deg):
    out_type = [jax.ShapeDtypeStruct((NC, NPAD, 128), jnp.float32)]
    scratch = [
        pltpu.VMEM((HB, K), jnp.int32),
        pltpu.VMEM((HB, K), jnp.int32),
        pltpu.VMEM((K, 128), jnp.float32),
        pltpu.VMEM((K, 128), jnp.float32),
    ]
    if with_deg:
        out_type.append(jax.ShapeDtypeStruct((NC, NPAD), jnp.float32))
        scratch.append(pltpu.VMEM((K,), jnp.float32))
    scratch.extend([pltpu.SemaphoreType.DMA] * (5 if with_deg else 4))
    scratch.append(pltpu.VMEM_SHARED((NPAD, 128), jnp.float32))
    if with_deg:
        scratch.append(pltpu.VMEM_SHARED((NPAD,), jnp.float32))
    mesh = plsc.VectorSubcoreMesh(core_axis_name="c", subcore_axis_name="s",
                                  num_cores=NC, num_subcores=NS)
    return pl.kernel(
        functools.partial(_sc_body, with_deg),
        out_type=tuple(out_type),
        mesh=mesh,
        scratch_types=tuple(scratch),
        name="sage_segsum_sc" + ("_deg" if with_deg else ""),
    )


def _dense_body(a0, a1, d0, d1, xb, WlT, bl, WrT, out):
    deg = jnp.maximum(d0[...] + d1[...], 1.0)
    agg = (a0[...] + a1[...]) / deg
    h = (jnp.dot(agg, WlT[...], preferred_element_type=jnp.float32)
         + bl[...]
         + jnp.dot(xb[...], WrT[...], preferred_element_type=jnp.float32))
    out[...] = jnp.maximum(h, 0.0)


BR = 1280


def _dense_call(a0, a1, d0, d1, xb, WlT, bl, WrT):
    nblk = NPAD // BR
    row = lambda i: (i, 0)
    fixed = lambda i: (0, 0)
    return pl.pallas_call(
        _dense_body,
        grid=(nblk,),
        in_specs=[
            pl.BlockSpec((BR, 128), row),
            pl.BlockSpec((BR, 128), row),
            pl.BlockSpec((BR, 1), row),
            pl.BlockSpec((BR, 1), row),
            pl.BlockSpec((BR, 128), row),
            pl.BlockSpec((128, 128), fixed),
            pl.BlockSpec((1, 128), fixed),
            pl.BlockSpec((128, 128), fixed),
        ],
        out_specs=pl.BlockSpec((BR, 128), row),
        out_shape=jax.ShapeDtypeStruct((NPAD, 128), jnp.float32),
    )(a0, a1, d0, d1, xb, WlT, bl, WrT)


def _tail_body(a0, a1, d0, d1, xb, WlT, bl, WrT,
               batch2d, set01, WmdT, WmmT, WmxT, bm, W1T, b1,
               W2Tp, b2p, out):
    deg = jnp.maximum(d0[...] + d1[...], 1.0)
    agg = (a0[...] + a1[...]) / deg
    h2 = jnp.maximum(
        jnp.dot(agg, WlT[...], preferred_element_type=jnp.float32)
        + bl[...]
        + jnp.dot(xb[...], WrT[...], preferred_element_type=jnp.float32),
        0.0)
    b = batch2d[...]
    g3 = lax.broadcasted_iota(jnp.int32, (128, 80, 128), 0)
    cmp = (b[None, :, :] < g3).astype(jnp.int32)
    base = jnp.sum(jnp.sum(cmp, axis=2), axis=1, keepdims=True)
    idx0 = jnp.clip(base + set01[:, 0:1], 0, N - 1)
    idx1 = jnp.clip(base + set01[:, 1:2], 0, N - 1)
    col = lax.broadcasted_iota(jnp.int32, (128, NPAD), 1)
    xs0 = jnp.dot((col == idx0).astype(jnp.float32), h2,
                  preferred_element_type=jnp.float32)
    xs1 = jnp.dot((col == idx1).astype(jnp.float32), h2,
                  preferred_element_type=jnp.float32)
    d = jnp.abs(xs0 - xs1)
    m = (xs0 + xs1) * 0.5
    x = jnp.maximum(xs0, xs1)
    pooled = (jnp.dot(d, WmdT[...], preferred_element_type=jnp.float32)
              + jnp.dot(m, WmmT[...], preferred_element_type=jnp.float32)
              + jnp.dot(x, WmxT[...], preferred_element_type=jnp.float32)
              + bm[...])
    f = jnp.maximum(
        jnp.dot(pooled, W1T[...], preferred_element_type=jnp.float32) + b1[...],
        0.0)
    logits = jnp.dot(f, W2Tp[...], preferred_element_type=jnp.float32) + b2p[...]
    mx = jnp.max(logits, axis=1, keepdims=True)
    lse = jnp.log(jnp.sum(jnp.exp(logits - mx), axis=1, keepdims=True))
    out[...] = logits - mx - lse


def _tail_call(a0, a1, d0, d1, xb, WlT, bl, WrT,
               batch2d, set01, WmdT, WmmT, WmxT, bm, W1T, b1, W2Tp, b2p):
    return pl.pallas_call(
        _tail_body,
        out_shape=jax.ShapeDtypeStruct((128, 128), jnp.float32),
    )(a0, a1, d0, d1, xb, WlT, bl, WrT,
      batch2d, set01, WmdT, WmmT, WmxT, bm, W1T, b1, W2Tp, b2p)


def kernel(x, edge_index, set_indices, batch, num_graphs,
           Wl1, bl1, Wr1, Wl2, bl2, Wr2, Wm, bm, W1, b1, W2, b2):
    del num_graphs
    f32 = jnp.float32

    xp = jnp.pad(x, ((0, NPAD - N), (0, 0)))
    pad_iota = jnp.arange(EPAD - E, dtype=jnp.int32)
    src2d = jnp.concatenate(
        [edge_index[0], pad_iota % N]).reshape(NCHUNK, K)
    dst2d = jnp.concatenate(
        [edge_index[1], N + pad_iota % (NPAD - N)]).reshape(NCHUNK, K)
    zrow = jnp.zeros((ROWS_PER_SUB, 128), f32)
    zone = jnp.zeros((ROWS_PER_SUB,), f32)
    batch2d = jnp.pad(batch, (0, NPAD - N), constant_values=127).reshape(80, 128)
    set01 = jnp.pad(set_indices, ((0, 128 - set_indices.shape[0]), (0, 6)))
    Wl1T, Wr1T = Wl1.T, Wr1.T
    Wl2T, Wr2T = Wl2.T, Wr2.T
    bl1r, bl2r = bl1.reshape(1, 128), bl2.reshape(1, 128)
    WmdT = Wm[:, 0:128].T
    WmmT = Wm[:, 128:256].T
    WmxT = Wm[:, 256:384].T
    bmr = bm.reshape(1, 128)
    W1T = W1.T
    b1r = b1.reshape(1, 128)
    W2Tp = jnp.pad(W2.T, ((0, 0), (0, 128 - W2.shape[0])))
    b2p = jnp.pad(b2, (0, 128 - W2.shape[0]),
                  constant_values=-1e30).reshape(1, 128)

    acc1, deg = _make_sc_call(True)(xp, src2d, dst2d, zrow, zone)
    d0 = deg[0].reshape(NPAD, 1)
    d1 = deg[1].reshape(NPAD, 1)
    h1 = _dense_call(acc1[0], acc1[1], d0, d1, xp, Wl1T, bl1r, Wr1T)

    acc2 = _make_sc_call(False)(h1, src2d, dst2d, zrow, zone)[0]
    outp = _tail_call(acc2[0], acc2[1], d0, d1, h1, Wl2T, bl2r, Wr2T,
                      batch2d, set01, WmdT, WmmT, WmxT, bmr,
                      W1T, b1r, W2Tp, b2p)
    return outp[:set_indices.shape[0], :W2.shape[0]]

# --- scband reference (transcript-rebuilt; emitter-appended) ---
"""Pipeline reference for scband-gnnmodel-49417893708345 (READ-ONLY COPY).

The authoritative reference and input builder live on the scoring server;
editing this copy changes nothing except your own understanding.
"""

import jax, jax.numpy as jnp
import numpy as np

N = 10000   # nodes
E = 320000  # edges
D = 128     # in_features
H = 128     # hidden_features
O = 64      # out_features
G = 100     # num_graphs


def _init_linear(key, out_f, in_f, bias=True):
    k1, k2 = jax.random.split(key)
    lim = 1.0 / np.sqrt(in_f)
    W = jax.random.uniform(k1, (out_f, in_f), minval=-lim, maxval=lim, dtype=jnp.float32)
    if bias:
        b = jax.random.uniform(k2, (out_f,), minval=-lim, maxval=lim, dtype=jnp.float32)
        return W, b
    return W, None


def setup_inputs(seed: int = 0) -> dict:
    key = jax.random.key(seed)
    ks = jax.random.split(key, 20)
    x = jax.random.normal(ks[0], (N, D), dtype=jnp.float32)
    edge_index = jax.random.randint(ks[1], (2, E), 0, N, dtype=jnp.int32)
    set_indices = jax.random.randint(ks[2], (G, 2), 0, 2, dtype=jnp.int32)
    batch = jnp.sort(jax.random.randint(ks[3], (N,), 0, G, dtype=jnp.int32))
    # SAGEConv layer 1 (in->hidden): lin_l (aggr, with bias), lin_r (root, no bias)
    Wl1, bl1 = _init_linear(ks[4], H, D, bias=True)
    Wr1, _ = _init_linear(ks[5], H, D, bias=False)
    # SAGEConv layer 2 (hidden->hidden)
    Wl2, bl2 = _init_linear(ks[6], H, H, bias=True)
    Wr2, _ = _init_linear(ks[7], H, H, bias=False)
    # merger Linear(3H -> H)
    Wm, bm = _init_linear(ks[8], H, 3 * H, bias=True)
    # FeedForwardNetwork: Linear(H,H)+ReLU, Linear(H,O)+LogSoftmax
    W1, b1 = _init_linear(ks[9], H, H, bias=True)
    W2, b2 = _init_linear(ks[10], O, H, bias=True)
    return {
        "x": x, "edge_index": edge_index, "set_indices": set_indices,
        "batch": batch, "num_graphs": G,
        "Wl1": Wl1, "bl1": bl1, "Wr1": Wr1,
        "Wl2": Wl2, "bl2": bl2, "Wr2": Wr2,
        "Wm": Wm, "bm": bm, "W1": W1, "b1": b1, "W2": W2, "b2": b2,
    }


def _sage_conv(x, src, dst, Wl, bl, Wr):
    # PyG SAGEConv with mean aggregation: lin_l(mean_{j in N(i)} x_j) + lin_r(x_i)
    msg = jnp.take(x, src, axis=0)                       # gather [E, d]
    agg = jax.ops.segment_sum(msg, dst, num_segments=x.shape[0])
    deg = jax.ops.segment_sum(jnp.ones((src.shape[0],), dtype=x.dtype), dst,
                              num_segments=x.shape[0])
    agg = agg / jnp.clip(deg, 1.0, None)[:, None]
    return agg @ Wl.T + bl + x @ Wr.T


def reference(x, edge_index, set_indices, batch, num_graphs,
              Wl1, bl1, Wr1, Wl2, bl2, Wr2, Wm, bm, W1, b1, W2, b2):
    src, dst = edge_index[0], edge_index[1]
    # layer 1 + ReLU (dropout p=0 -> identity; no layer_norm for DE-SAGE)
    h = _sage_conv(x, src, dst, Wl1, bl1, Wr1)
    h = jax.nn.relu(h)
    # layer 2 + ReLU
    h = _sage_conv(h, src, dst, Wl2, bl2, Wr2)
    h = jax.nn.relu(h)
    # get_minibatch_embeddings
    g_static = set_indices.shape[0]
    num_nodes = (jnp.bincount(batch, length=g_static)
                 + (jnp.asarray(num_graphs) - g_static)).astype(jnp.int32)
    index_bases = jnp.concatenate([jnp.zeros((1,), dtype=jnp.int32),
                                   jnp.cumsum(num_nodes)[:-1].astype(jnp.int32)])
    set_indices_batch = index_bases[:, None] + set_indices   # [G, 2]
    xs = jnp.take(h, set_indices_batch, axis=0)              # [G, 2, H]
    # pool (set size 2): |x0 - x1|, mean, max -> merger
    x_diff = jnp.abs(xs[:, 0, :] - xs[:, 1, :])
    x_mean = xs.mean(axis=1)
    x_max = xs.max(axis=1)
    pooled = jnp.concatenate([x_diff, x_mean, x_max], axis=-1) @ Wm.T + bm
    # FeedForwardNetwork
    f = jax.nn.relu(pooled @ W1.T + b1)
    out = jax.nn.log_softmax(f @ W2.T + b2, axis=-1)
    return out

if __name__ == "__main__":
    import jax
    _d = setup_inputs()
    print(jax.jit(kernel)(*tuple(_d.values())))

</pallas_src>

<mosaic_0001>
#map = affine_map<(d0, d1) -> (0, 0)>
#map1 = affine_map<(d0, d1) -> (0)>
#map2 = affine_map<(d0, d1) -> (0, 0, 0)>
module attributes {stable_mosaic.version = 14 : i64} {
  func.func @sage_segsum_sc_deg(%arg0: i32, %arg1: i32, %arg2: memref<10240x128xf32, #tpu.memory_space<hbm>>, %arg3: memref<2560x128xi32, #tpu.memory_space<hbm>>, %arg4: memref<2560x128xi32, #tpu.memory_space<hbm>>, %arg5: memref<640x128xf32, #tpu.memory_space<hbm>>, %arg6: memref<640xf32, #tpu.memory_space<hbm>>, %arg7: memref<2x10240x128xf32, #tpu.memory_space<hbm>>, %arg8: memref<2x10240xf32, #tpu.memory_space<hbm>>, %arg9: memref<40x128xi32, #tpu.memory_space<vmem>>, %arg10: memref<40x128xi32, #tpu.memory_space<vmem>>, %arg11: memref<128x128xf32, #tpu.memory_space<vmem>>, %arg12: memref<128x128xf32, #tpu.memory_space<vmem>>, %arg13: memref<128xf32, #tpu.memory_space<vmem>>, %arg14: memref<!tpu.dma_semaphore, #tpu.memory_space<semaphore_mem>>, %arg15: memref<!tpu.dma_semaphore, #tpu.memory_space<semaphore_mem>>, %arg16: memref<!tpu.dma_semaphore, #tpu.memory_space<semaphore_mem>>, %arg17: memref<!tpu.dma_semaphore, #tpu.memory_space<semaphore_mem>>, %arg18: memref<!tpu.dma_semaphore, #tpu.memory_space<semaphore_mem>>, %arg19: memref<10240x128xf32, #tpu.memory_space<vmem_shared>>, %arg20: memref<10240xf32, #tpu.memory_space<vmem_shared>>) attributes {dimension_semantics = [#tpu.dimension_semantics<core_parallel>, #tpu.dimension_semantics<subcore_parallel>], iteration_bounds = array<i64: 2, 16>, scalar_prefetch = 0 : i64, scratch_operands = 12 : i64, tpu.core_type = #tpu.core_type<sc_vector_subcore>, window_params = [{transform_indices = #map}, {transform_indices = #map}, {transform_indices = #map}, {transform_indices = #map}, {transform_indices = #map1}, {transform_indices = #map2}, {transform_indices = #map}]} {
    %mul3A = arith.constant 2 : i32
    %mul3A_0 = arith.muli %arg1, %mul3A : i32
    %add3A = arith.addi %mul3A_0, %arg0 : i32
    %mul3A_1 = arith.constant 640 : i32
    %mul3A_2 = arith.muli %arg1, %mul3A_1 : i32
    "tpu.region"() ({
      %run_scoped3A = tpu.sem_alloc : memref<!tpu.dma_semaphore, #tpu.memory_space<semaphore_mem>>
      %dma_start3A_137 = arith.constant 0 : i32
      %dma_start3A_138 = tpu.memref_slice %arg19[%mul3A_2, %dma_start3A_137] : memref<10240x128xf32, #tpu.memory_space<vmem_shared>> -> memref<640x128xf32, #tpu.memory_space<vmem_shared>>
      tpu.enqueue_dma source(%arg5 : memref<640x128xf32, #tpu.memory_space<hbm>>) target(%dma_start3A_138 : memref<640x128xf32, #tpu.memory_space<vmem_shared>>) target_semaphore(%run_scoped3A : memref<!tpu.dma_semaphore, #tpu.memory_space<semaphore_mem>>)
      %dma_wait3A_139 = arith.constant 0 : i32
      %dma_wait3A_140 = tpu.memref_slice %arg19[%mul3A_2, %dma_wait3A_139] : memref<10240x128xf32, #tpu.memory_space<vmem_shared>> -> memref<640x128xf32, #tpu.memory_space<vmem_shared>>
      tpu.wait_dma2 semaphore(%run_scoped3A : memref<!tpu.dma_semaphore, #tpu.memory_space<semaphore_mem>>) src(%arg5 : memref<640x128xf32, #tpu.memory_space<hbm>>) dst(%dma_wait3A_140 : memref<640x128xf32, #tpu.memory_space<vmem_shared>>)
      tpu.yield
    }) : () -> ()
    %mul3A_3 = arith.constant 640 : i32
    %mul3A_4 = arith.muli %arg1, %mul3A_3 : i32
    "tpu.region"() ({
      %run_scoped3A = tpu.sem_alloc : memref<!tpu.dma_semaphore, #tpu.memory_space<semaphore_mem>>
      %dma_start3A_137 = tpu.memref_slice %arg20[%mul3A_4] : memref<10240xf32, #tpu.memory_space<vmem_shared>> -> memref<640xf32, #tpu.memory_space<vmem_shared>>
      tpu.enqueue_dma source(%arg6 : memref<640xf32, #tpu.memory_space<hbm>>) target(%dma_start3A_137 : memref<640xf32, #tpu.memory_space<vmem_shared>>) target_semaphore(%run_scoped3A : memref<!tpu.dma_semaphore, #tpu.memory_space<semaphore_mem>>)
      %dma_wait3A_138 = tpu.memref_slice %arg20[%mul3A_4] : memref<10240xf32, #tpu.memory_space<vmem_shared>> -> memref<640xf32, #tpu.memory_space<vmem_shared>>
      tpu.wait_dma2 semaphore(%run_scoped3A : memref<!tpu.dma_semaphore, #tpu.memory_space<semaphore_mem>>) src(%arg6 : memref<640xf32, #tpu.memory_space<hbm>>) dst(%dma_wait3A_138 : memref<640xf32, #tpu.memory_space<vmem_shared>>)
      tpu.yield
    }) : () -> ()
    %broadcast_in_dim3A = arith.constant 1.000000e+00 : f32
    %broadcast_in_dim3A_5 = vector.broadcast %broadcast_in_dim3A : f32 to vector<16xf32>
    %swap3A = arith.constant 0 : index
    %swap3A_6 = tpu.vector_load %arg13[%swap3A] {strides = array<i32>} : memref<128xf32, #tpu.memory_space<vmem>>, vector<16xf32>,
    %swap3A_7 = vector.shape_cast %swap3A_6 : vector<16xf32> to vector<16xf32>
    %swap3A_8 = vector.shape_cast %broadcast_in_dim3A_5 : vector<16xf32> to vector<16xf32>
    tpu.vector_store %arg13[%swap3A], %swap3A_8 {strides = array<i32>} : memref<128xf32, #tpu.memory_space<vmem>>, vector<16xf32>,
    %broadcast_in_dim3A_9 = arith.constant 1.000000e+00 : f32
    %broadcast_in_dim3A_10 = vector.broadcast %broadcast_in_dim3A_9 : f32 to vector<16xf32>
    %swap3A_11 = arith.constant 16 : index
    %swap3A_12 = tpu.vector_load %arg13[%swap3A_11] {strides = array<i32>} : memref<128xf32, #tpu.memory_space<vmem>>, vector<16xf32>,
    %swap3A_13 = vector.shape_cast %swap3A_12 : vector<16xf32> to vector<16xf32>
    %swap3A_14 = vector.shape_cast %broadcast_in_dim3A_10 : vector<16xf32> to vector<16xf32>
    tpu.vector_store %arg13[%swap3A_11], %swap3A_14 {strides = array<i32>} : memref<128xf32, #tpu.memory_space<vmem>>, vector<16xf32>,
    %broadcast_in_dim3A_15 = arith.constant 1.000000e+00 : f32
    %broadcast_in_dim3A_16 = vector.broadcast %broadcast_in_dim3A_15 : f32 to vector<16xf32>
    %swap3A_17 = arith.constant 32 : index
    %swap3A_18 = tpu.vector_load %arg13[%swap3A_17] {strides = array<i32>} : memref<128xf32, #tpu.memory_space<vmem>>, vector<16xf32>,
    %swap3A_19 = vector.shape_cast %swap3A_18 : vector<16xf32> to vector<16xf32>
    %swap3A_20 = vector.shape_cast %broadcast_in_dim3A_16 : vector<16xf32> to vector<16xf32>
    tpu.vector_store %arg13[%swap3A_17], %swap3A_20 {strides = array<i32>} : memref<128xf32, #tpu.memory_space<vmem>>, vector<16xf32>,
    %broadcast_in_dim3A_21 = arith.constant 1.000000e+00 : f32
    %broadcast_in_dim3A_22 = vector.broadcast %broadcast_in_dim3A_21 : f32 to vector<16xf32>
    %swap3A_23 = arith.constant 48 : index
    %swap3A_24 = tpu.vector_load %arg13[%swap3A_23] {strides = array<i32>} : memref<128xf32, #tpu.memory_space<vmem>>, vector<16xf32>,
    %swap3A_25 = vector.shape_cast %swap3A_24 : vector<16xf32> to vector<16xf32>
    %swap3A_26 = vector.shape_cast %broadcast_in_dim3A_22 : vector<16xf32> to vector<16xf32>
    tpu.vector_store %arg13[%swap3A_23], %swap3A_26 {strides = array<i32>} : memref<128xf32, #tpu.memory_space<vmem>>, vector<16xf32>,
    %broadcast_in_dim3A_27 = arith.constant 1.000000e+00 : f32
    %broadcast_in_dim3A_28 = vector.broadcast %broadcast_in_dim3A_27 : f32 to vector<16xf32>
    %swap3A_29 = arith.constant 64 : index
    %swap3A_30 = tpu.vector_load %arg13[%swap3A_29] {strides = array<i32>} : memref<128xf32, #tpu.memory_space<vmem>>, vector<16xf32>,
    %swap3A_31 = vector.shape_cast %swap3A_30 : vector<16xf32> to vector<16xf32>
    %swap3A_32 = vector.shape_cast %broadcast_in_dim3A_28 : vector<16xf32> to vector<16xf32>
    tpu.vector_store %arg13[%swap3A_29], %swap3A_32 {strides = array<i32>} : memref<128xf32, #tpu.memory_space<vmem>>, vector<16xf32>,
    %broadcast_in_dim3A_33 = arith.constant 1.000000e+00 : f32
    %broadcast_in_dim3A_34 = vector.broadcast %broadcast_in_dim3A_33 : f32 to vector<16xf32>
    %swap3A_35 = arith.constant 80 : index
    %swap3A_36 = tpu.vector_load %arg13[%swap3A_35] {strides = array<i32>} : memref<128xf32, #tpu.memory_space<vmem>>, vector<16xf32>,
    %swap3A_37 = vector.shape_cast %swap3A_36 : vector<16xf32> to vector<16xf32>
    %swap3A_38 = vector.shape_cast %broadcast_in_dim3A_34 : vector<16xf32> to vector<16xf32>
    tpu.vector_store %arg13[%swap3A_35], %swap3A_38 {strides = array<i32>} : memref<128xf32, #tpu.memory_space<vmem>>, vector<16xf32>,
    %broadcast_in_dim3A_39 = arith.constant 1.000000e+00 : f32
    %broadcast_in_dim3A_40 = vector.broadcast %broadcast_in_dim3A_39 : f32 to vector<16xf32>
    %swap3A_41 = arith.constant 96 : index
    %swap3A_42 = tpu.vector_load %arg13[%swap3A_41] {strides = array<i32>} : memref<128xf32, #tpu.memory_space<vmem>>, vector<16xf32>,
    %swap3A_43 = vector.shape_cast %swap3A_42 : vector<16xf32> to vector<16xf32>
    %swap3A_44 = vector.shape_cast %broadcast_in_dim3A_40 : vector<16xf32> to vector<16xf32>
    tpu.vector_store %arg13[%swap3A_41], %swap3A_44 {strides = array<i32>} : memref<128xf32, #tpu.memory_space<vmem>>, vector<16xf32>,
    %broadcast_in_dim3A_45 = arith.constant 1.000000e+00 : f32
    %broadcast_in_dim3A_46 = vector.broadcast %broadcast_in_dim3A_45 : f32 to vector<16xf32>
    %swap3A_47 = arith.constant 112 : index
    %swap3A_48 = tpu.vector_load %arg13[%swap3A_47] {strides = array<i32>} : memref<128xf32, #tpu.memory_space<vmem>>, vector<16xf32>,
    %swap3A_49 = vector.shape_cast %swap3A_48 : vector<16xf32> to vector<16xf32>
    %swap3A_50 = vector.shape_cast %broadcast_in_dim3A_46 : vector<16xf32> to vector<16xf32>
    tpu.vector_store %arg13[%swap3A_47], %swap3A_50 {strides = array<i32>} : memref<128xf32, #tpu.memory_space<vmem>>, vector<16xf32>,
    %barrier3A = arith.constant 0 : index
    tpu.barrier barrier_id(%barrier3A)
    %mul3A_51 = arith.constant 80 : i32
    %mul3A_52 = arith.muli %add3A, %mul3A_51 : i32
    %add3A_53 = arith.constant 0 : i32
    %add3A_54 = arith.addi %mul3A_52, %add3A_53 : i32
    "tpu.region"() ({
      %run_scoped3A = tpu.sem_alloc : memref<!tpu.dma_semaphore, #tpu.memory_space<semaphore_mem>>
      %dma_start3A_137 = arith.constant 0 : i32
      %dma_start3A_138 = tpu.memref_slice %arg3[%add3A_54, %dma_start3A_137] : memref<2560x128xi32, #tpu.memory_space<hbm>> -> memref<40x128xi32, #tpu.memory_space<hbm>>
      %dma_start3A_139 = arith.constant 0 : i32
      %dma_start3A_140 = tpu.memref_slice %arg3[%add3A_54, %dma_start3A_139] : memref<2560x128xi32, #tpu.memory_space<hbm>> -> memref<40x128xi32, #tpu.memory_space<hbm>>
      tpu.enqueue_dma source(%dma_start3A_140 : memref<40x128xi32, #tpu.memory_space<hbm>>) target(%arg9 : memref<40x128xi32, #tpu.memory_space<vmem>>) target_semaphore(%run_scoped3A : memref<!tpu.dma_semaphore, #tpu.memory_space<semaphore_mem>>)
      %dma_wait3A_141 = arith.constant 0 : i32
      %dma_wait3A_142 = tpu.memref_slice %arg3[%add3A_54, %dma_wait3A_141] : memref<2560x128xi32, #tpu.memory_space<hbm>> -> memref<40x128xi32, #tpu.memory_space<hbm>>
      %dma_wait3A_143 = arith.constant 0 : i32
      %dma_wait3A_144 = tpu.memref_slice %arg3[%add3A_54, %dma_wait3A_143] : memref<2560x128xi32, #tpu.memory_space<hbm>> -> memref<40x128xi32, #tpu.memory_space<hbm>>
      tpu.wait_dma2 semaphore(%run_scoped3A : memref<!tpu.dma_semaphore, #tpu.memory_space<semaphore_mem>>) src(%dma_wait3A_144 : memref<40x128xi32, #tpu.memory_space<hbm>>) dst(%arg9 : memref<40x128xi32, #tpu.memory_space<vmem>>)
      tpu.yield
    }) : () -> ()
    "tpu.region"() ({
      %run_scoped3A = tpu.sem_alloc : memref<!tpu.dma_semaphore, #tpu.memory_space<semaphore_mem>>
      %dma_start3A_137 = arith.constant 0 : i32
      %dma_start3A_138 = tpu.memref_slice %arg4[%add3A_54, %dma_start3A_137] : memref<2560x128xi32, #tpu.memory_space<hbm>> -> memref<40x128xi32, #tpu.memory_space<hbm>>
      %dma_start3A_139 = arith.constant 0 : i32
      %dma_start3A_140 = tpu.memref_slice %arg4[%add3A_54, %dma_start3A_139] : memref<2560x128xi32, #tpu.memory_space<hbm>> -> memref<40x128xi32, #tpu.memory_space<hbm>>
      tpu.enqueue_dma source(%dma_start3A_140 : memref<40x128xi32, #tpu.memory_space<hbm>>) target(%arg10 : memref<40x128xi32, #tpu.memory_space<vmem>>) target_semaphore(%run_scoped3A : memref<!tpu.dma_semaphore, #tpu.memory_space<semaphore_mem>>)
      %dma_wait3A_141 = arith.constant 0 : i32
      %dma_wait3A_142 = tpu.memref_slice %arg4[%add3A_54, %dma_wait3A_141] : memref<2560x128xi32, #tpu.memory_space<hbm>> -> memref<40x128xi32, #tpu.memory_space<hbm>>
      %dma_wait3A_143 = arith.constant 0 : i32
      %dma_wait3A_144 = tpu.memref_slice %arg4[%add3A_54, %dma_wait3A_143] : memref<2560x128xi32, #tpu.memory_space<hbm>> -> memref<40x128xi32, #tpu.memory_space<hbm>>
      tpu.wait_dma2 semaphore(%run_scoped3A : memref<!tpu.dma_semaphore, #tpu.memory_space<semaphore_mem>>) src(%dma_wait3A_144 : memref<40x128xi32, #tpu.memory_space<hbm>>) dst(%arg10 : memref<40x128xi32, #tpu.memory_space<vmem>>)
      tpu.yield
    }) : () -> ()
    %dma_start3A = arith.constant 0 : i32
    %dma_start3A_55 = arith.constant 0 : i32
    %dma_start3A_56 = tpu.memref_slice %arg9[%dma_start3A, %dma_start3A_55] : memref<40x128xi32, #tpu.memory_space<vmem>> -> memref<1x128xi32, #tpu.memory_space<vmem>>
    %dma_start3A_57 = tpu.memref_squeeze %dma_start3A_56 : memref<1x128xi32, #tpu.memory_space<vmem>> -> memref<128xi32, #tpu.memory_space<vmem>>
    %dma_start3A_58 = arith.constant 0 : i32
    %dma_start3A_59 = arith.constant 0 : i32
    %dma_start3A_60 = tpu.memref_slice %arg2[%dma_start3A_58, %dma_start3A_59] : memref<10240x128xf32, #tpu.memory_space<hbm>> -> memref<10240x128xf32, #tpu.memory_space<hbm>>
    tpu.enqueue_indirect_dma source(%dma_start3A_60 : memref<10240x128xf32, #tpu.memory_space<hbm>>) target(%arg11 : memref<128x128xf32, #tpu.memory_space<vmem>>) offsets(%dma_start3A_57 : memref<128xi32, #tpu.memory_space<vmem>>) semaphore(%arg14 : memref<!tpu.dma_semaphore, #tpu.memory_space<semaphore_mem>>)
    %scan3A = arith.constant 0 : i32
    %scan3A_61 = arith.constant 0 : i32
    %scan3A_62 = arith.constant 20 : i32
    %scan3A_63 = arith.addi %scan3A_61, %scan3A_62 : i32
    %scan3A_64 = arith.constant 1 : i32
    scf.for %scan3A_137 = %scan3A_61 to %scan3A_63 step %scan3A_64  : i32 {
      %mul3A_138 = arith.constant 2 : i32
      %mul3A_139 = arith.muli %mul3A_138, %scan3A_137 : i32
      %add3A_140 = arith.constant 1 : i32
      %add3A_141 = arith.addi %mul3A_139, %add3A_140 : i32
      %dma_wait3A_142 = arith.constant 0 : i32
      %dma_wait3A_143 = tpu.memref_slice %arg9[%mul3A_139, %dma_wait3A_142] : memref<40x128xi32, #tpu.memory_space<vmem>> -> memref<1x128xi32, #tpu.memory_space<vmem>>
      %dma_wait3A_144 = tpu.memref_squeeze %dma_wait3A_143 : memref<1x128xi32, #tpu.memory_space<vmem>> -> memref<128xi32, #tpu.memory_space<vmem>>
      %dma_wait3A_145 = arith.constant 0 : i32
      %dma_wait3A_146 = arith.constant 0 : i32
      %dma_wait3A_147 = tpu.memref_slice %arg2[%dma_wait3A_145, %dma_wait3A_146] : memref<10240x128xf32, #tpu.memory_space<hbm>> -> memref<10240x128xf32, #tpu.memory_space<hbm>>
      tpu.wait_indirect_dma semaphore(%arg14 : memref<!tpu.dma_semaphore, #tpu.memory_space<semaphore_mem>>) src(%dma_wait3A_147 : memref<10240x128xf32, #tpu.memory_space<hbm>>) dst(%arg11 : memref<128x128xf32, #tpu.memory_space<vmem>>)
      %dma_start3A_148 = arith.constant 0 : i32
      %dma_start3A_149 = tpu.memref_slice %arg10[%mul3A_139, %dma_start3A_148] : memref<40x128xi32, #tpu.memory_space<vmem>> -> memref<1x128xi32, #tpu.memory_space<vmem>>
      %dma_start3A_150 = tpu.memref_squeeze %dma_start3A_149 : memref<1x128xi32, #tpu.memory_space<vmem>> -> memref<128xi32, #tpu.memory_space<vmem>>
      %dma_start3A_151 = arith.constant 0 : i32
      %dma_start3A_152 = arith.constant 0 : i32
      %dma_start3A_153 = tpu.memref_slice %arg19[%dma_start3A_151, %dma_start3A_152] : memref<10240x128xf32, #tpu.memory_space<vmem_shared>> -> memref<10240x128xf32, #tpu.memory_space<vmem_shared>>
      tpu.enqueue_indirect_dma source(%arg11 : memref<128x128xf32, #tpu.memory_space<vmem>>) target(%dma_start3A_153 : memref<10240x128xf32, #tpu.memory_space<vmem_shared>>) offsets(%dma_start3A_150 : memref<128xi32, #tpu.memory_space<vmem>>) semaphore(%arg15 : memref<!tpu.dma_semaphore, #tpu.memory_space<semaphore_mem>>) {add = true}
      %dma_start3A_154 = arith.constant 0 : i32
      %dma_start3A_155 = tpu.memref_slice %arg10[%mul3A_139, %dma_start3A_154] : memref<40x128xi32, #tpu.memory_space<vmem>> -> memref<1x128xi32, #tpu.memory_space<vmem>>
      %dma_start3A_156 = tpu.memref_squeeze %dma_start3A_155 : memref<1x128xi32, #tpu.memory_space<vmem>> -> memref<128xi32, #tpu.memory_space<vmem>>
      %dma_start3A_157 = arith.constant 0 : i32
      %dma_start3A_158 = tpu.memref_slice %arg20[%dma_start3A_157] : memref<10240xf32, #tpu.memory_space<vmem_shared>> -> memref<10240xf32, #tpu.memory_space<vmem_shared>>
      tpu.enqueue_indirect_dma source(%arg13 : memref<128xf32, #tpu.memory_space<vmem>>) target(%dma_start3A_158 : memref<10240xf32, #tpu.memory_space<vmem_shared>>) offsets(%dma_start3A_156 : memref<128xi32, #tpu.memory_space<vmem>>) semaphore(%arg18 : memref<!tpu.dma_semaphore, #tpu.memory_space<semaphore_mem>>) {add = true}
      %sub3A = arith.constant 2 : i32
      %sub3A_159 = arith.subi %mul3A_139, %sub3A : i32
      %ge3A = arith.constant 0 : i32
      %ge3A_160 = arith.cmpi sge, %sub3A_159, %ge3A : i32
      %convert_element_type3A = arith.extui %ge3A_160 : i1 to i32
      %cond3A = arith.constant 0 : i32
      %cond3A_161 = arith.cmpi ne, %convert_element_type3A, %cond3A : i32
      scf.if %cond3A_161 {
        %sub3A_199 = arith.constant 2 : i32
        %sub3A_200 = arith.subi %mul3A_139, %sub3A_199 : i32
        %dma_wait3A_201 = arith.constant 0 : i32
        %dma_wait3A_202 = tpu.memref_slice %arg10[%sub3A_200, %dma_wait3A_201] : memref<40x128xi32, #tpu.memory_space<vmem>> -> memref<1x128xi32, #tpu.memory_space<vmem>>
        %dma_wait3A_203 = tpu.memref_squeeze %dma_wait3A_202 : memref<1x128xi32, #tpu.memory_space<vmem>> -> memref<128xi32, #tpu.memory_space<vmem>>
        %dma_wait3A_204 = arith.constant 0 : i32
        %dma_wait3A_205 = tpu.memref_slice %arg20[%dma_wait3A_204] : memref<10240xf32, #tpu.memory_space<vmem_shared>> -> memref<10240xf32, #tpu.memory_space<vmem_shared>>
        tpu.wait_indirect_dma semaphore(%arg18 : memref<!tpu.dma_semaphore, #tpu.memory_space<semaphore_mem>>) src(%arg13 : memref<128xf32, #tpu.memory_space<vmem>>) dst(%dma_wait3A_205 : memref<10240xf32, #tpu.memory_space<vmem_shared>>)
      } else {
      }
      %lt3A = arith.constant 40 : i32
      %lt3A_162 = arith.cmpi slt, %add3A_141, %lt3A : i32
      %convert_element_type3A_163 = arith.extui %lt3A_162 : i1 to i32
      %cond3A_164 = arith.constant 0 : i32
      %cond3A_165 = arith.cmpi ne, %convert_element_type3A_163, %cond3A_164 : i32
      scf.if %cond3A_165 {
        %sub3A_199 = arith.constant 2 : i32
        %sub3A_200 = arith.subi %add3A_141, %sub3A_199 : i32
        %ge3A_201 = arith.constant 0 : i32
        %ge3A_202 = arith.cmpi sge, %sub3A_200, %ge3A_201 : i32
        %convert_element_type3A_203 = arith.extui %ge3A_202 : i1 to i32
        %cond3A_204 = arith.constant 0 : i32
        %cond3A_205 = arith.cmpi ne, %convert_element_type3A_203, %cond3A_204 : i32
        scf.if %cond3A_205 {
          %sub3A_212 = arith.constant 2 : i32
          %sub3A_213 = arith.subi %add3A_141, %sub3A_212 : i32
          %dma_wait3A_214 = arith.constant 0 : i32
          %dma_wait3A_215 = tpu.memref_slice %arg10[%sub3A_213, %dma_wait3A_214] : memref<40x128xi32, #tpu.memory_space<vmem>> -> memref<1x128xi32, #tpu.memory_space<vmem>>
          %dma_wait3A_216 = tpu.memref_squeeze %dma_wait3A_215 : memref<1x128xi32, #tpu.memory_space<vmem>> -> memref<128xi32, #tpu.memory_space<vmem>>
          %dma_wait3A_217 = arith.constant 0 : i32
          %dma_wait3A_218 = arith.constant 0 : i32
          %dma_wait3A_219 = tpu.memref_slice %arg19[%dma_wait3A_217, %dma_wait3A_218] : memref<10240x128xf32, #tpu.memory_space<vmem_shared>> -> memref<10240x128xf32, #tpu.memory_space<vmem_shared>>
          tpu.wait_indirect_dma semaphore(%arg17 : memref<!tpu.dma_semaphore, #tpu.memory_space<semaphore_mem>>) src(%arg12 : memref<128x128xf32, #tpu.memory_space<vmem>>) dst(%dma_wait3A_219 : memref<10240x128xf32, #tpu.memory_space<vmem_shared>>)
          %add3A_220 = arith.constant 2 : i32
          %add3A_221 = arith.addi %sub3A_213, %add3A_220 : i32
          %ge3A_222 = arith.constant 40 : i32
          %ge3A_223 = arith.cmpi sge, %add3A_221, %ge3A_222 : i32
          %convert_element_type3A_224 = arith.extui %ge3A_223 : i1 to i32
          %cond3A_225 = arith.constant 0 : i32
          %cond3A_226 = arith.cmpi ne, %convert_element_type3A_224, %cond3A_225 : i32
          scf.if %cond3A_226 {
            %dma_wait3A_227 = arith.constant 0 : i32
            %dma_wait3A_228 = tpu.memref_slice %arg10[%sub3A_213, %dma_wait3A_227] : memref<40x128xi32, #tpu.memory_space<vmem>> -> memref<1x128xi32, #tpu.memory_space<vmem>>
            %dma_wait3A_229 = tpu.memref_squeeze %dma_wait3A_228 : memref<1x128xi32, #tpu.memory_space<vmem>> -> memref<128xi32, #tpu.memory_space<vmem>>
            %dma_wait3A_230 = arith.constant 0 : i32
            %dma_wait3A_231 = tpu.memref_slice %arg20[%dma_wait3A_230] : memref<10240xf32, #tpu.memory_space<vmem_shared>> -> memref<10240xf32, #tpu.memory_space<vmem_shared>>
            tpu.wait_indirect_dma semaphore(%arg18 : memref<!tpu.dma_semaphore, #tpu.memory_space<semaphore_mem>>) src(%arg13 : memref<128xf32, #tpu.memory_space<vmem>>) dst(%dma_wait3A_231 : memref<10240xf32, #tpu.memory_space<vmem_shared>>)
          } else {
          }
        } else {
        }
        %dma_start3A_206 = arith.constant 0 : i32
        %dma_start3A_207 = tpu.memref_slice %arg9[%add3A_141, %dma_start3A_206] : memref<40x128xi32, #tpu.memory_space<vmem>> -> memref<1x128xi32, #tpu.memory_space<vmem>>
        %dma_start3A_208 = tpu.memref_squeeze %dma_start3A_207 : memref<1x128xi32, #tpu.memory_space<vmem>> -> memref<128xi32, #tpu.memory_space<vmem>>
        %dma_start3A_209 = arith.constant 0 : i32
        %dma_start3A_210 = arith.constant 0 : i32
        %dma_start3A_211 = tpu.memref_slice %arg2[%dma_start3A_209, %dma_start3A_210] : memref<10240x128xf32, #tpu.memory_space<hbm>> -> memref<10240x128xf32, #tpu.memory_space<hbm>>
        tpu.enqueue_indirect_dma source(%dma_start3A_211 : memref<10240x128xf32, #tpu.memory_space<hbm>>) target(%arg12 : memref<128x128xf32, #tpu.memory_space<vmem>>) offsets(%dma_start3A_208 : memref<128xi32, #tpu.memory_space<vmem>>) semaphore(%arg16 : memref<!tpu.dma_semaphore, #tpu.memory_space<semaphore_mem>>)
      } else {
      }
      %add3A_166 = arith.constant 1 : i32
      %add3A_167 = arith.addi %mul3A_139, %add3A_166 : i32
      %add3A_168 = arith.constant 2 : i32
      %add3A_169 = arith.addi %mul3A_139, %add3A_168 : i32
      %dma_wait3A_170 = arith.constant 0 : i32
      %dma_wait3A_171 = tpu.memref_slice %arg9[%add3A_167, %dma_wait3A_170] : memref<40x128xi32, #tpu.memory_space<vmem>> -> memref<1x128xi32, #tpu.memory_space<vmem>>
      %dma_wait3A_172 = tpu.memref_squeeze %dma_wait3A_171 : memref<1x128xi32, #tpu.memory_space<vmem>> -> memref<128xi32, #tpu.memory_space<vmem>>
      %dma_wait3A_173 = arith.constant 0 : i32
      %dma_wait3A_174 = arith.constant 0 : i32
      %dma_wait3A_175 = tpu.memref_slice %arg2[%dma_wait3A_173, %dma_wait3A_174] : memref<10240x128xf32, #tpu.memory_space<hbm>> -> memref<10240x128xf32, #tpu.memory_space<hbm>>
      tpu.wait_indirect_dma semaphore(%arg16 : memref<!tpu.dma_semaphore, #tpu.memory_space<semaphore_mem>>) src(%dma_wait3A_175 : memref<10240x128xf32, #tpu.memory_space<hbm>>) dst(%arg12 : memref<128x128xf32, #tpu.memory_space<vmem>>)
      %dma_start3A_176 = arith.constant 0 : i32
      %dma_start3A_177 = tpu.memref_slice %arg10[%add3A_167, %dma_start3A_176] : memref<40x128xi32, #tpu.memory_space<vmem>> -> memref<1x128xi32, #tpu.memory_space<vmem>>
      %dma_start3A_178 = tpu.memref_squeeze %dma_start3A_177 : memref<1x128xi32, #tpu.memory_space<vmem>> -> memref<128xi32, #tpu.memory_space<vmem>>
      %dma_start3A_179 = arith.constant 0 : i32
      %dma_start3A_180 = arith.constant 0 : i32
      %dma_start3A_181 = tpu.memref_slice %arg19[%dma_start3A_179, %dma_start3A_180] : memref<10240x128xf32, #tpu.memory_space<vmem_shared>> -> memref<10240x128xf32, #tpu.memory_space<vmem_shared>>
      tpu.enqueue_indirect_dma source(%arg12 : memref<128x128xf32, #tpu.memory_space<vmem>>) target(%dma_start3A_181 : memref<10240x128xf32, #tpu.memory_space<vmem_shared>>) offsets(%dma_start3A_178 : memref<128xi32, #tpu.memory_space<vmem>>) semaphore(%arg17 : memref<!tpu.dma_semaphore, #tpu.memory_space<semaphore_mem>>) {add = true}
      %dma_start3A_182 = arith.constant 0 : i32
      %dma_start3A_183 = tpu.memref_slice %arg10[%add3A_167, %dma_start3A_182] : memref<40x128xi32, #tpu.memory_space<vmem>> -> memref<1x128xi32, #tpu.memory_space<vmem>>
      %dma_start3A_184 = tpu.memref_squeeze %dma_start3A_183 : memref<1x128xi32, #tpu.memory_space<vmem>> -> memref<128xi32, #tpu.memory_space<vmem>>
      %dma_start3A_185 = arith.constant 0 : i32
      %dma_start3A_186 = tpu.memref_slice %arg20[%dma_start3A_185] : memref<10240xf32, #tpu.memory_space<vmem_shared>> -> memref<10240xf32, #tpu.memory_space<vmem_shared>>
      tpu.enqueue_indirect_dma source(%arg13 : memref<128xf32, #tpu.memory_space<vmem>>) target(%dma_start3A_186 : memref<10240xf32, #tpu.memory_space<vmem_shared>>) offsets(%dma_start3A_184 : memref<128xi32, #tpu.memory_space<vmem>>) semaphore(%arg18 : memref<!tpu.dma_semaphore, #tpu.memory_space<semaphore_mem>>) {add = true}
      %sub3A_187 = arith.constant 2 : i32
      %sub3A_188 = arith.subi %add3A_167, %sub3A_187 : i32
      %ge3A_189 = arith.constant 0 : i32
      %ge3A_190 = arith.cmpi sge, %sub3A_188, %ge3A_189 : i32
      %convert_element_type3A_191 = arith.extui %ge3A_190 : i1 to i32
      %cond3A_192 = arith.constant 0 : i32
      %cond3A_193 = arith.cmpi ne, %convert_element_type3A_191, %cond3A_192 : i32
      scf.if %cond3A_193 {
        %sub3A_199 = arith.constant 2 : i32
        %sub3A_200 = arith.subi %add3A_167, %sub3A_199 : i32
        %dma_wait3A_201 = arith.constant 0 : i32
        %dma_wait3A_202 = tpu.memref_slice %arg10[%sub3A_200, %dma_wait3A_201] : memref<40x128xi32, #tpu.memory_space<vmem>> -> memref<1x128xi32, #tpu.memory_space<vmem>>
        %dma_wait3A_203 = tpu.memref_squeeze %dma_wait3A_202 : memref<1x128xi32, #tpu.memory_space<vmem>> -> memref<128xi32, #tpu.memory_space<vmem>>
        %dma_wait3A_204 = arith.constant 0 : i32
        %dma_wait3A_205 = tpu.memref_slice %arg20[%dma_wait3A_204] : memref<10240xf32, #tpu.memory_space<vmem_shared>> -> memref<10240xf32, #tpu.memory_space<vmem_shared>>
        tpu.wait_indirect_dma semaphore(%arg18 : memref<!tpu.dma_semaphore, #tpu.memory_space<semaphore_mem>>) src(%arg13 : memref<128xf32, #tpu.memory_space<vmem>>) dst(%dma_wait3A_205 : memref<10240xf32, #tpu.memory_space<vmem_shared>>)
      } else {
      }
      %lt3A_194 = arith.constant 40 : i32
      %lt3A_195 = arith.cmpi slt, %add3A_169, %lt3A_194 : i32
      %convert_element_type3A_196 = arith.extui %lt3A_195 : i1 to i32
      %cond3A_197 = arith.constant 0 : i32
      %cond3A_198 = arith.cmpi ne, %convert_element_type3A_196, %cond3A_197 : i32
      scf.if %cond3A_198 {
        %sub3A_199 = arith.constant 2 : i32
        %sub3A_200 = arith.subi %add3A_169, %sub3A_199 : i32
        %ge3A_201 = arith.constant 0 : i32
        %ge3A_202 = arith.cmpi sge, %sub3A_200, %ge3A_201 : i32
        %convert_element_type3A_203 = arith.extui %ge3A_202 : i1 to i32
        %cond3A_204 = arith.constant 0 : i32
        %cond3A_205 = arith.cmpi ne, %convert_element_type3A_203, %cond3A_204 : i32
        scf.if %cond3A_205 {
          %sub3A_212 = arith.constant 2 : i32
          %sub3A_213 = arith.subi %add3A_169, %sub3A_212 : i32
          %dma_wait3A_214 = arith.constant 0 : i32
          %dma_wait3A_215 = tpu.memref_slice %arg10[%sub3A_213, %dma_wait3A_214] : memref<40x128xi32, #tpu.memory_space<vmem>> -> memref<1x128xi32, #tpu.memory_space<vmem>>
          %dma_wait3A_216 = tpu.memref_squeeze %dma_wait3A_215 : memref<1x128xi32, #tpu.memory_space<vmem>> -> memref<128xi32, #tpu.memory_space<vmem>>
          %dma_wait3A_217 = arith.constant 0 : i32
          %dma_wait3A_218 = arith.constant 0 : i32
          %dma_wait3A_219 = tpu.memref_slice %arg19[%dma_wait3A_217, %dma_wait3A_218] : memref<10240x128xf32, #tpu.memory_space<vmem_shared>> -> memref<10240x128xf32, #tpu.memory_space<vmem_shared>>
          tpu.wait_indirect_dma semaphore(%arg15 : memref<!tpu.dma_semaphore, #tpu.memory_space<semaphore_mem>>) src(%arg11 : memref<128x128xf32, #tpu.memory_space<vmem>>) dst(%dma_wait3A_219 : memref<10240x128xf32, #tpu.memory_space<vmem_shared>>)
          %add3A_220 = arith.constant 2 : i32
          %add3A_221 = arith.addi %sub3A_213, %add3A_220 : i32
          %ge3A_222 = arith.constant 40 : i32
          %ge3A_223 = arith.cmpi sge, %add3A_221, %ge3A_222 : i32
          %convert_element_type3A_224 = arith.extui %ge3A_223 : i1 to i32
          %cond3A_225 = arith.constant 0 : i32
          %cond3A_226 = arith.cmpi ne, %convert_element_type3A_224, %cond3A_225 : i32
          scf.if %cond3A_226 {
            %dma_wait3A_227 = arith.constant 0 : i32
            %dma_wait3A_228 = tpu.memref_slice %arg10[%sub3A_213, %dma_wait3A_227] : memref<40x128xi32, #tpu.memory_space<vmem>> -> memref<1x128xi32, #tpu.memory_space<vmem>>
            %dma_wait3A_229 = tpu.memref_squeeze %dma_wait3A_228 : memref<1x128xi32, #tpu.memory_space<vmem>> -> memref<128xi32, #tpu.memory_space<vmem>>
            %dma_wait3A_230 = arith.constant 0 : i32
            %dma_wait3A_231 = tpu.memref_slice %arg20[%dma_wait3A_230] : memref<10240xf32, #tpu.memory_space<vmem_shared>> -> memref<10240xf32, #tpu.memory_space<vmem_shared>>
            tpu.wait_indirect_dma semaphore(%arg18 : memref<!tpu.dma_semaphore, #tpu.memory_space<semaphore_mem>>) src(%arg13 : memref<128xf32, #tpu.memory_space<vmem>>) dst(%dma_wait3A_231 : memref<10240xf32, #tpu.memory_space<vmem_shared>>)
          } else {
          }
        } else {
        }
        %dma_start3A_206 = arith.constant 0 : i32
        %dma_start3A_207 = tpu.memref_slice %arg9[%add3A_169, %dma_start3A_206] : memref<40x128xi32, #tpu.memory_space<vmem>> -> memref<1x128xi32, #tpu.memory_space<vmem>>
        %dma_start3A_208 = tpu.memref_squeeze %dma_start3A_207 : memref<1x128xi32, #tpu.memory_space<vmem>> -> memref<128xi32, #tpu.memory_space<vmem>>
        %dma_start3A_209 = arith.constant 0 : i32
        %dma_start3A_210 = arith.constant 0 : i32
        %dma_start3A_211 = tpu.memref_slice %arg2[%dma_start3A_209, %dma_start3A_210] : memref<10240x128xf32, #tpu.memory_space<hbm>> -> memref<10240x128xf32, #tpu.memory_space<hbm>>
        tpu.enqueue_indirect_dma source(%dma_start3A_211 : memref<10240x128xf32, #tpu.memory_space<hbm>>) target(%arg11 : memref<128x128xf32, #tpu.memory_space<vmem>>) offsets(%dma_start3A_208 : memref<128xi32, #tpu.memory_space<vmem>>) semaphore(%arg14 : memref<!tpu.dma_semaphore, #tpu.memory_space<semaphore_mem>>)
      } else {
      }
    }
    %scan3A_65 = arith.constant 20 : i32
    %dma_wait3A = arith.constant 38 : i32
    %dma_wait3A_66 = arith.constant 0 : i32
    %dma_wait3A_67 = tpu.memref_slice %arg10[%dma_wait3A, %dma_wait3A_66] : memref<40x128xi32, #tpu.memory_space<vmem>> -> memref<1x128xi32, #tpu.memory_space<vmem>>
    %dma_wait3A_68 = tpu.memref_squeeze %dma_wait3A_67 : memref<1x128xi32, #tpu.memory_space<vmem>> -> memref<128xi32, #tpu.memory_space<vmem>>
    %dma_wait3A_69 = arith.constant 0 : i32
    %dma_wait3A_70 = arith.constant 0 : i32
    %dma_wait3A_71 = tpu.memref_slice %arg19[%dma_wait3A_69, %dma_wait3A_70] : memref<10240x128xf32, #tpu.memory_space<vmem_shared>> -> memref<10240x128xf32, #tpu.memory_space<vmem_shared>>
    tpu.wait_indirect_dma semaphore(%arg15 : memref<!tpu.dma_semaphore, #tpu.memory_space<semaphore_mem>>) src(%arg11 : memref<128x128xf32, #tpu.memory_space<vmem>>) dst(%dma_wait3A_71 : memref<10240x128xf32, #tpu.memory_space<vmem_shared>>)
    %dma_wait3A_72 = arith.constant 38 : i32
    %dma_wait3A_73 = arith.constant 0 : i32
    %dma_wait3A_74 = tpu.memref_slice %arg10[%dma_wait3A_72, %dma_wait3A_73] : memref<40x128xi32, #tpu.memory_space<vmem>> -> memref<1x128xi32, #tpu.memory_space<vmem>>
    %dma_wait3A_75 = tpu.memref_squeeze %dma_wait3A_74 : memref<1x128xi32, #tpu.memory_space<vmem>> -> memref<128xi32, #tpu.memory_space<vmem>>
    %dma_wait3A_76 = arith.constant 0 : i32
    %dma_wait3A_77 = tpu.memref_slice %arg20[%dma_wait3A_76] : memref<10240xf32, #tpu.memory_space<vmem_shared>> -> memref<10240xf32, #tpu.memory_space<vmem_shared>>
    tpu.wait_indirect_dma semaphore(%arg18 : memref<!tpu.dma_semaphore, #tpu.memory_space<semaphore_mem>>) src(%arg13 : memref<128xf32, #tpu.memory_space<vmem>>) dst(%dma_wait3A_77 : memref<10240xf32, #tpu.memory_space<vmem_shared>>)
    %dma_wait3A_78 = arith.constant 39 : i32
    %dma_wait3A_79 = arith.constant 0 : i32
    %dma_wait3A_80 = tpu.memref_slice %arg10[%dma_wait3A_78, %dma_wait3A_79] : memref<40x128xi32, #tpu.memory_space<vmem>> -> memref<1x128xi32, #tpu.memory_space<vmem>>
    %dma_wait3A_81 = tpu.memref_squeeze %dma_wait3A_80 : memref<1x128xi32, #tpu.memory_space<vmem>> -> memref<128xi32, #tpu.memory_space<vmem>>
    %dma_wait3A_82 = arith.constant 0 : i32
    %dma_wait3A_83 = arith.constant 0 : i32
    %dma_wait3A_84 = tpu.memref_slice %arg19[%dma_wait3A_82, %dma_wait3A_83] : memref<10240x128xf32, #tpu.memory_space<vmem_shared>> -> memref<10240x128xf32, #tpu.memory_space<vmem_shared>>
    tpu.wait_indirect_dma semaphore(%arg17 : memref<!tpu.dma_semaphore, #tpu.memory_space<semaphore_mem>>) src(%arg12 : memref<128x128xf32, #tpu.memory_space<vmem>>) dst(%dma_wait3A_84 : memref<10240x128xf32, #tpu.memory_space<vmem_shared>>)
    %dma_wait3A_85 = arith.constant 39 : i32
    %dma_wait3A_86 = arith.constant 0 : i32
    %dma_wait3A_87 = tpu.memref_slice %arg10[%dma_wait3A_85, %dma_wait3A_86] : memref<40x128xi32, #tpu.memory_space<vmem>> -> memref<1x128xi32, #tpu.memory_space<vmem>>
    %dma_wait3A_88 = tpu.memref_squeeze %dma_wait3A_87 : memref<1x128xi32, #tpu.memory_space<vmem>> -> memref<128xi32, #tpu.memory_space<vmem>>
    %dma_wait3A_89 = arith.constant 0 : i32
    %dma_wait3A_90 = tpu.memref_slice %arg20[%dma_wait3A_89] : memref<10240xf32, #tpu.memory_space<vmem_shared>> -> memref<10240xf32, #tpu.memory_space<vmem_shared>>
    tpu.wait_indirect_dma semaphore(%arg18 : memref<!tpu.dma_semaphore, #tpu.memory_space<semaphore_mem>>) src(%arg13 : memref<128xf32, #tpu.memory_space<vmem>>) dst(%dma_wait3A_90 : memref<10240xf32, #tpu.memory_space<vmem_shared>>)
    %mul3A_91 = arith.constant 80 : i32
    %mul3A_92 = arith.muli %add3A, %mul3A_91 : i32
    %add3A_93 = arith.constant 40 : i32
    %add3A_94 = arith.addi %mul3A_92, %add3A_93 : i32
    "tpu.region"() ({
      %run_scoped3A = tpu.sem_alloc : memref<!tpu.dma_semaphore, #tpu.memory_space<semaphore_mem>>
      %dma_start3A_137 = arith.constant 0 : i32
      %dma_start3A_138 = tpu.memref_slice %arg3[%add3A_94, %dma_start3A_137] : memref<2560x128xi32, #tpu.memory_space<hbm>> -> memref<40x128xi32, #tpu.memory_space<hbm>>
      %dma_start3A_139 = arith.constant 0 : i32
      %dma_start3A_140 = tpu.memref_slice %arg3[%add3A_94, %dma_start3A_139] : memref<2560x128xi32, #tpu.memory_space<hbm>> -> memref<40x128xi32, #tpu.memory_space<hbm>>
      tpu.enqueue_dma source(%dma_start3A_140 : memref<40x128xi32, #tpu.memory_space<hbm>>) target(%arg9 : memref<40x128xi32, #tpu.memory_space<vmem>>) target_semaphore(%run_scoped3A : memref<!tpu.dma_semaphore, #tpu.memory_space<semaphore_mem>>)
      %dma_wait3A_141 = arith.constant 0 : i32
      %dma_wait3A_142 = tpu.memref_slice %arg3[%add3A_94, %dma_wait3A_141] : memref<2560x128xi32, #tpu.memory_space<hbm>> -> memref<40x128xi32, #tpu.memory_space<hbm>>
      %dma_wait3A_143 = arith.constant 0 : i32
      %dma_wait3A_144 = tpu.memref_slice %arg3[%add3A_94, %dma_wait3A_143] : memref<2560x128xi32, #tpu.memory_space<hbm>> -> memref<40x128xi32, #tpu.memory_space<hbm>>
      tpu.wait_dma2 semaphore(%run_scoped3A : memref<!tpu.dma_semaphore, #tpu.memory_space<semaphore_mem>>) src(%dma_wait3A_144 : memref<40x128xi32, #tpu.memory_space<hbm>>) dst(%arg9 : memref<40x128xi32, #tpu.memory_space<vmem>>)
      tpu.yield
    }) : () -> ()
    "tpu.region"() ({
      %run_scoped3A = tpu.sem_alloc : memref<!tpu.dma_semaphore, #tpu.memory_space<semaphore_mem>>
      %dma_start3A_137 = arith.constant 0 : i32
      %dma_start3A_138 = tpu.memref_slice %arg4[%add3A_94, %dma_start3A_137] : memref<2560x128xi32, #tpu.memory_space<hbm>> -> memref<40x128xi32, #tpu.memory_space<hbm>>
      %dma_start3A_139 = arith.constant 0 : i32
      %dma_start3A_140 = tpu.memref_slice %arg4[%add3A_94, %dma_start3A_139] : memref<2560x128xi32, #tpu.memory_space<hbm>> -> memref<40x128xi32, #tpu.memory_space<hbm>>
      tpu.enqueue_dma source(%dma_start3A_140 : memref<40x128xi32, #tpu.memory_space<hbm>>) target(%arg10 : memref<40x128xi32, #tpu.memory_space<vmem>>) target_semaphore(%run_scoped3A : memref<!tpu.dma_semaphore, #tpu.memory_space<semaphore_mem>>)
      %dma_wait3A_141 = arith.constant 0 : i32
      %dma_wait3A_142 = tpu.memref_slice %arg4[%add3A_94, %dma_wait3A_141] : memref<2560x128xi32, #tpu.memory_space<hbm>> -> memref<40x128xi32, #tpu.memory_space<hbm>>
      %dma_wait3A_143 = arith.constant 0 : i32
      %dma_wait3A_144 = tpu.memref_slice %arg4[%add3A_94, %dma_wait3A_143] : memref<2560x128xi32, #tpu.memory_space<hbm>> -> memref<40x128xi32, #tpu.memory_space<hbm>>
      tpu.wait_dma2 semaphore(%run_scoped3A : memref<!tpu.dma_semaphore, #tpu.memory_space<semaphore_mem>>) src(%dma_wait3A_144 : memref<40x128xi32, #tpu.memory_space<hbm>>) dst(%arg10 : memref<40x128xi32, #tpu.memory_space<vmem>>)
      tpu.yield
    }) : () -> ()
    %dma_start3A_95 = arith.constant 0 : i32
    %dma_start3A_96 = arith.constant 0 : i32
    %dma_start3A_97 = tpu.memref_slice %arg9[%dma_start3A_95, %dma_start3A_96] : memref<40x128xi32, #tpu.memory_space<vmem>> -> memref<1x128xi32, #tpu.memory_space<vmem>>
    %dma_start3A_98 = tpu.memref_squeeze %dma_start3A_97 : memref<1x128xi32, #tpu.memory_space<vmem>> -> memref<128xi32, #tpu.memory_space<vmem>>
    %dma_start3A_99 = arith.constant 0 : i32
    %dma_start3A_100 = arith.constant 0 : i32
    %dma_start3A_101 = tpu.memref_slice %arg2[%dma_start3A_99, %dma_start3A_100] : memref<10240x128xf32, #tpu.memory_space<hbm>> -> memref<10240x128xf32, #tpu.memory_space<hbm>>
    tpu.enqueue_indirect_dma source(%dma_start3A_101 : memref<10240x128xf32, #tpu.memory_space<hbm>>) target(%arg11 : memref<128x128xf32, #tpu.memory_space<vmem>>) offsets(%dma_start3A_98 : memref<128xi32, #tpu.memory_space<vmem>>) semaphore(%arg14 : memref<!tpu.dma_semaphore, #tpu.memory_space<semaphore_mem>>)
    %scan3A_102 = arith.constant 0 : i32
    %scan3A_103 = arith.constant 0 : i32
    %scan3A_104 = arith.constant 20 : i32
    %scan3A_105 = arith.addi %scan3A_103, %scan3A_104 : i32
    %scan3A_106 = arith.constant 1 : i32
    scf.for %scan3A_137 = %scan3A_103 to %scan3A_105 step %scan3A_106  : i32 {
      %mul3A_138 = arith.constant 2 : i32
      %mul3A_139 = arith.muli %mul3A_138, %scan3A_137 : i32
      %add3A_140 = arith.constant 1 : i32
      %add3A_141 = arith.addi %mul3A_139, %add3A_140 : i32
      %dma_wait3A_142 = arith.constant 0 : i32
      %dma_wait3A_143 = tpu.memref_slice %arg9[%mul3A_139, %dma_wait3A_142] : memref<40x128xi32, #tpu.memory_space<vmem>> -> memref<1x128xi32, #tpu.memory_space<vmem>>
      %dma_wait3A_144 = tpu.memref_squeeze %dma_wait3A_143 : memref<1x128xi32, #tpu.memory_space<vmem>> -> memref<128xi32, #tpu.memory_space<vmem>>
      %dma_wait3A_145 = arith.constant 0 : i32
      %dma_wait3A_146 = arith.constant 0 : i32
      %dma_wait3A_147 = tpu.memref_slice %arg2[%dma_wait3A_145, %dma_wait3A_146] : memref<10240x128xf32, #tpu.memory_space<hbm>> -> memref<10240x128xf32, #tpu.memory_space<hbm>>
      tpu.wait_indirect_dma semaphore(%arg14 : memref<!tpu.dma_semaphore, #tpu.memory_space<semaphore_mem>>) src(%dma_wait3A_147 : memref<10240x128xf32, #tpu.memory_space<hbm>>) dst(%arg11 : memref<128x128xf32, #tpu.memory_space<vmem>>)
      %dma_start3A_148 = arith.constant 0 : i32
      %dma_start3A_149 = tpu.memref_slice %arg10[%mul3A_139, %dma_start3A_148] : memref<40x128xi32, #tpu.memory_space<vmem>> -> memref<1x128xi32, #tpu.memory_space<vmem>>
      %dma_start3A_150 = tpu.memref_squeeze %dma_start3A_149 : memref<1x128xi32, #tpu.memory_space<vmem>> -> memref<128xi32, #tpu.memory_space<vmem>>
      %dma_start3A_151 = arith.constant 0 : i32
      %dma_start3A_152 = arith.constant 0 : i32
      %dma_start3A_153 = tpu.memref_slice %arg19[%dma_start3A_151, %dma_start3A_152] : memref<10240x128xf32, #tpu.memory_space<vmem_shared>> -> memref<10240x128xf32, #tpu.memory_space<vmem_shared>>
      tpu.enqueue_indirect_dma source(%arg11 : memref<128x128xf32, #tpu.memory_space<vmem>>) target(%dma_start3A_153 : memref<10240x128xf32, #tpu.memory_space<vmem_shared>>) offsets(%dma_start3A_150 : memref<128xi32, #tpu.memory_space<vmem>>) semaphore(%arg15 : memref<!tpu.dma_semaphore, #tpu.memory_space<semaphore_mem>>) {add = true}
      %dma_start3A_154 = arith.constant 0 : i32
      %dma_start3A_155 = tpu.memref_slice %arg10[%mul3A_139, %dma_start3A_154] : memref<40x128xi32, #tpu.memory_space<vmem>> -> memref<1x128xi32, #tpu.memory_space<vmem>>
      %dma_start3A_156 = tpu.memref_squeeze %dma_start3A_155 : memref<1x128xi32, #tpu.memory_space<vmem>> -> memref<128xi32, #tpu.memory_space<vmem>>
      %dma_start3A_157 = arith.constant 0 : i32
      %dma_start3A_158 = tpu.memref_slice %arg20[%dma_start3A_157] : memref<10240xf32, #tpu.memory_space<vmem_shared>> -> memref<10240xf32, #tpu.memory_space<vmem_shared>>
      tpu.enqueue_indirect_dma source(%arg13 : memref<128xf32, #tpu.memory_space<vmem>>) target(%dma_start3A_158 : memref<10240xf32, #tpu.memory_space<vmem_shared>>) offsets(%dma_start3A_156 : memref<128xi32, #tpu.memory_space<vmem>>) semaphore(%arg18 : memref<!tpu.dma_semaphore, #tpu.memory_space<semaphore_mem>>) {add = true}
      %sub3A = arith.constant 2 : i32
      %sub3A_159 = arith.subi %mul3A_139, %sub3A : i32
      %ge3A = arith.constant 0 : i32
      %ge3A_160 = arith.cmpi sge, %sub3A_159, %ge3A : i32
      %convert_element_type3A = arith.extui %ge3A_160 : i1 to i32
      %cond3A = arith.constant 0 : i32
      %cond3A_161 = arith.cmpi ne, %convert_element_type3A, %cond3A : i32
      scf.if %cond3A_161 {
        %sub3A_199 = arith.constant 2 : i32
        %sub3A_200 = arith.subi %mul3A_139, %sub3A_199 : i32
        %dma_wait3A_201 = arith.constant 0 : i32
        %dma_wait3A_202 = tpu.memref_slice %arg10[%sub3A_200, %dma_wait3A_201] : memref<40x128xi32, #tpu.memory_space<vmem>> -> memref<1x128xi32, #tpu.memory_space<vmem>>
        %dma_wait3A_203 = tpu.memref_squeeze %dma_wait3A_202 : memref<1x128xi32, #tpu.memory_space<vmem>> -> memref<128xi32, #tpu.memory_space<vmem>>
        %dma_wait3A_204 = arith.constant 0 : i32
        %dma_wait3A_205 = tpu.memref_slice %arg20[%dma_wait3A_204] : memref<10240xf32, #tpu.memory_space<vmem_shared>> -> memref<10240xf32, #tpu.memory_space<vmem_shared>>
        tpu.wait_indirect_dma semaphore(%arg18 : memref<!tpu.dma_semaphore, #tpu.memory_space<semaphore_mem>>) src(%arg13 : memref<128xf32, #tpu.memory_space<vmem>>) dst(%dma_wait3A_205 : memref<10240xf32, #tpu.memory_space<vmem_shared>>)
      } else {
      }
      %lt3A = arith.constant 40 : i32
      %lt3A_162 = arith.cmpi slt, %add3A_141, %lt3A : i32
      %convert_element_type3A_163 = arith.extui %lt3A_162 : i1 to i32
      %cond3A_164 = arith.constant 0 : i32
      %cond3A_165 = arith.cmpi ne, %convert_element_type3A_163, %cond3A_164 : i32
      scf.if %cond3A_165 {
        %sub3A_199 = arith.constant 2 : i32
        %sub3A_200 = arith.subi %add3A_141, %sub3A_199 : i32
        %ge3A_201 = arith.constant 0 : i32
        %ge3A_202 = arith.cmpi sge, %sub3A_200, %ge3A_201 : i32
        %convert_element_type3A_203 = arith.extui %ge3A_202 : i1 to i32
        %cond3A_204 = arith.constant 0 : i32
        %cond3A_205 = arith.cmpi ne, %convert_element_type3A_203, %cond3A_204 : i32
        scf.if %cond3A_205 {
          %sub3A_212 = arith.constant 2 : i32
          %sub3A_213 = arith.subi %add3A_141, %sub3A_212 : i32
          %dma_wait3A_214 = arith.constant 0 : i32
          %dma_wait3A_215 = tpu.memref_slice %arg10[%sub3A_213, %dma_wait3A_214] : memref<40x128xi32, #tpu.memory_space<vmem>> -> memref<1x128xi32, #tpu.memory_space<vmem>>
          %dma_wait3A_216 = tpu.memref_squeeze %dma_wait3A_215 : memref<1x128xi32, #tpu.memory_space<vmem>> -> memref<128xi32, #tpu.memory_space<vmem>>
          %dma_wait3A_217 = arith.constant 0 : i32
          %dma_wait3A_218 = arith.constant 0 : i32
          %dma_wait3A_219 = tpu.memref_slice %arg19[%dma_wait3A_217, %dma_wait3A_218] : memref<10240x128xf32, #tpu.memory_space<vmem_shared>> -> memref<10240x128xf32, #tpu.memory_space<vmem_shared>>
          tpu.wait_indirect_dma semaphore(%arg17 : memref<!tpu.dma_semaphore, #tpu.memory_space<semaphore_mem>>) src(%arg12 : memref<128x128xf32, #tpu.memory_space<vmem>>) dst(%dma_wait3A_219 : memref<10240x128xf32, #tpu.memory_space<vmem_shared>>)
          %add3A_220 = arith.constant 2 : i32
          %add3A_221 = arith.addi %sub3A_213, %add3A_220 : i32
          %ge3A_222 = arith.constant 40 : i32
          %ge3A_223 = arith.cmpi sge, %add3A_221, %ge3A_222 : i32
          %convert_element_type3A_224 = arith.extui %ge3A_223 : i1 to i32
          %cond3A_225 = arith.constant 0 : i32
          %cond3A_226 = arith.cmpi ne, %convert_element_type3A_224, %cond3A_225 : i32
          scf.if %cond3A_226 {
            %dma_wait3A_227 = arith.constant 0 : i32
            %dma_wait3A_228 = tpu.memref_slice %arg10[%sub3A_213, %dma_wait3A_227] : memref<40x128xi32, #tpu.memory_space<vmem>> -> memref<1x128xi32, #tpu.memory_space<vmem>>
            %dma_wait3A_229 = tpu.memref_squeeze %dma_wait3A_228 : memref<1x128xi32, #tpu.memory_space<vmem>> -> memref<128xi32, #tpu.memory_space<vmem>>
            %dma_wait3A_230 = arith.constant 0 : i32
            %dma_wait3A_231 = tpu.memref_slice %arg20[%dma_wait3A_230] : memref<10240xf32, #tpu.memory_space<vmem_shared>> -> memref<10240xf32, #tpu.memory_space<vmem_shared>>
            tpu.wait_indirect_dma semaphore(%arg18 : memref<!tpu.dma_semaphore, #tpu.memory_space<semaphore_mem>>) src(%arg13 : memref<128xf32, #tpu.memory_space<vmem>>) dst(%dma_wait3A_231 : memref<10240xf32, #tpu.memory_space<vmem_shared>>)
          } else {
          }
        } else {
        }
        %dma_start3A_206 = arith.constant 0 : i32
        %dma_start3A_207 = tpu.memref_slice %arg9[%add3A_141, %dma_start3A_206] : memref<40x128xi32, #tpu.memory_space<vmem>> -> memref<1x128xi32, #tpu.memory_space<vmem>>
        %dma_start3A_208 = tpu.memref_squeeze %dma_start3A_207 : memref<1x128xi32, #tpu.memory_space<vmem>> -> memref<128xi32, #tpu.memory_space<vmem>>
        %dma_start3A_209 = arith.constant 0 : i32
        %dma_start3A_210 = arith.constant 0 : i32
        %dma_start3A_211 = tpu.memref_slice %arg2[%dma_start3A_209, %dma_start3A_210] : memref<10240x128xf32, #tpu.memory_space<hbm>> -> memref<10240x128xf32, #tpu.memory_space<hbm>>
        tpu.enqueue_indirect_dma source(%dma_start3A_211 : memref<10240x128xf32, #tpu.memory_space<hbm>>) target(%arg12 : memref<128x128xf32, #tpu.memory_space<vmem>>) offsets(%dma_start3A_208 : memref<128xi32, #tpu.memory_space<vmem>>) semaphore(%arg16 : memref<!tpu.dma_semaphore, #tpu.memory_space<semaphore_mem>>)
      } else {
      }
      %add3A_166 = arith.constant 1 : i32
      %add3A_167 = arith.addi %mul3A_139, %add3A_166 : i32
      %add3A_168 = arith.constant 2 : i32
      %add3A_169 = arith.addi %mul3A_139, %add3A_168 : i32
      %dma_wait3A_170 = arith.constant 0 : i32
      %dma_wait3A_171 = tpu.memref_slice %arg9[%add3A_167, %dma_wait3A_170] : memref<40x128xi32, #tpu.memory_space<vmem>> -> memref<1x128xi32, #tpu.memory_space<vmem>>
      %dma_wait3A_172 = tpu.memref_squeeze %dma_wait3A_171 : memref<1x128xi32, #tpu.memory_space<vmem>> -> memref<128xi32, #tpu.memory_space<vmem>>
      %dma_wait3A_173 = arith.constant 0 : i32
      %dma_wait3A_174 = arith.constant 0 : i32
      %dma_wait3A_175 = tpu.memref_slice %arg2[%dma_wait3A_173, %dma_wait3A_174] : memref<10240x128xf32, #tpu.memory_space<hbm>> -> memref<10240x128xf32, #tpu.memory_space<hbm>>
      tpu.wait_indirect_dma semaphore(%arg16 : memref<!tpu.dma_semaphore, #tpu.memory_space<semaphore_mem>>) src(%dma_wait3A_175 : memref<10240x128xf32, #tpu.memory_space<hbm>>) dst(%arg12 : memref<128x128xf32, #tpu.memory_space<vmem>>)
      %dma_start3A_176 = arith.constant 0 : i32
      %dma_start3A_177 = tpu.memref_slice %arg10[%add3A_167, %dma_start3A_176] : memref<40x128xi32, #tpu.memory_space<vmem>> -> memref<1x128xi32, #tpu.memory_space<vmem>>
      %dma_start3A_178 = tpu.memref_squeeze %dma_start3A_177 : memref<1x128xi32, #tpu.memory_space<vmem>> -> memref<128xi32, #tpu.memory_space<vmem>>
      %dma_start3A_179 = arith.constant 0 : i32
      %dma_start3A_180 = arith.constant 0 : i32
      %dma_start3A_181 = tpu.memref_slice %arg19[%dma_start3A_179, %dma_start3A_180] : memref<10240x128xf32, #tpu.memory_space<vmem_shared>> -> memref<10240x128xf32, #tpu.memory_space<vmem_shared>>
      tpu.enqueue_indirect_dma source(%arg12 : memref<128x128xf32, #tpu.memory_space<vmem>>) target(%dma_start3A_181 : memref<10240x128xf32, #tpu.memory_space<vmem_shared>>) offsets(%dma_start3A_178 : memref<128xi32, #tpu.memory_space<vmem>>) semaphore(%arg17 : memref<!tpu.dma_semaphore, #tpu.memory_space<semaphore_mem>>) {add = true}
      %dma_start3A_182 = arith.constant 0 : i32
      %dma_start3A_183 = tpu.memref_slice %arg10[%add3A_167, %dma_start3A_182] : memref<40x128xi32, #tpu.memory_space<vmem>> -> memref<1x128xi32, #tpu.memory_space<vmem>>
      %dma_start3A_184 = tpu.memref_squeeze %dma_start3A_183 : memref<1x128xi32, #tpu.memory_space<vmem>> -> memref<128xi32, #tpu.memory_space<vmem>>
      %dma_start3A_185 = arith.constant 0 : i32
      %dma_start3A_186 = tpu.memref_slice %arg20[%dma_start3A_185] : memref<10240xf32, #tpu.memory_space<vmem_shared>> -> memref<10240xf32, #tpu.memory_space<vmem_shared>>
      tpu.enqueue_indirect_dma source(%arg13 : memref<128xf32, #tpu.memory_space<vmem>>) target(%dma_start3A_186 : memref<10240xf32, #tpu.memory_space<vmem_shared>>) offsets(%dma_start3A_184 : memref<128xi32, #tpu.memory_space<vmem>>) semaphore(%arg18 : memref<!tpu.dma_semaphore, #tpu.memory_space<semaphore_mem>>) {add = true}
      %sub3A_187 = arith.constant 2 : i32
      %sub3A_188 = arith.subi %add3A_167, %sub3A_187 : i32
      %ge3A_189 = arith.constant 0 : i32
      %ge3A_190 = arith.cmpi sge, %sub3A_188, %ge3A_189 : i32
      %convert_element_type3A_191 = arith.extui %ge3A_190 : i1 to i32
      %cond3A_192 = arith.constant 0 : i32
      %cond3A_193 = arith.cmpi ne, %convert_element_type3A_191, %cond3A_192 : i32
      scf.if %cond3A_193 {
        %sub3A_199 = arith.constant 2 : i32
        %sub3A_200 = arith.subi %add3A_167, %sub3A_199 : i32
        %dma_wait3A_201 = arith.constant 0 : i32
        %dma_wait3A_202 = tpu.memref_slice %arg10[%sub3A_200, %dma_wait3A_201] : memref<40x128xi32, #tpu.memory_space<vmem>> -> memref<1x128xi32, #tpu.memory_space<vmem>>
        %dma_wait3A_203 = tpu.memref_squeeze %dma_wait3A_202 : memref<1x128xi32, #tpu.memory_space<vmem>> -> memref<128xi32, #tpu.memory_space<vmem>>
        %dma_wait3A_204 = arith.constant 0 : i32
        %dma_wait3A_205 = tpu.memref_slice %arg20[%dma_wait3A_204] : memref<10240xf32, #tpu.memory_space<vmem_shared>> -> memref<10240xf32, #tpu.memory_space<vmem_shared>>
        tpu.wait_indirect_dma semaphore(%arg18 : memref<!tpu.dma_semaphore, #tpu.memory_space<semaphore_mem>>) src(%arg13 : memref<128xf32, #tpu.memory_space<vmem>>) dst(%dma_wait3A_205 : memref<10240xf32, #tpu.memory_space<vmem_shared>>)
      } else {
      }
      %lt3A_194 = arith.constant 40 : i32
      %lt3A_195 = arith.cmpi slt, %add3A_169, %lt3A_194 : i32
      %convert_element_type3A_196 = arith.extui %lt3A_195 : i1 to i32
      %cond3A_197 = arith.constant 0 : i32
      %cond3A_198 = arith.cmpi ne, %convert_element_type3A_196, %cond3A_197 : i32
      scf.if %cond3A_198 {
        %sub3A_199 = arith.constant 2 : i32
        %sub3A_200 = arith.subi %add3A_169, %sub3A_199 : i32
        %ge3A_201 = arith.constant 0 : i32
        %ge3A_202 = arith.cmpi sge, %sub3A_200, %ge3A_201 : i32
        %convert_element_type3A_203 = arith.extui %ge3A_202 : i1 to i32
        %cond3A_204 = arith.constant 0 : i32
        %cond3A_205 = arith.cmpi ne, %convert_element_type3A_203, %cond3A_204 : i32
        scf.if %cond3A_205 {
          %sub3A_212 = arith.constant 2 : i32
          %sub3A_213 = arith.subi %add3A_169, %sub3A_212 : i32
          %dma_wait3A_214 = arith.constant 0 : i32
          %dma_wait3A_215 = tpu.memref_slice %arg10[%sub3A_213, %dma_wait3A_214] : memref<40x128xi32, #tpu.memory_space<vmem>> -> memref<1x128xi32, #tpu.memory_space<vmem>>
          %dma_wait3A_216 = tpu.memref_squeeze %dma_wait3A_215 : memref<1x128xi32, #tpu.memory_space<vmem>> -> memref<128xi32, #tpu.memory_space<vmem>>
          %dma_wait3A_217 = arith.constant 0 : i32
          %dma_wait3A_218 = arith.constant 0 : i32
          %dma_wait3A_219 = tpu.memref_slice %arg19[%dma_wait3A_217, %dma_wait3A_218] : memref<10240x128xf32, #tpu.memory_space<vmem_shared>> -> memref<10240x128xf32, #tpu.memory_space<vmem_shared>>
          tpu.wait_indirect_dma semaphore(%arg15 : memref<!tpu.dma_semaphore, #tpu.memory_space<semaphore_mem>>) src(%arg11 : memref<128x128xf32, #tpu.memory_space<vmem>>) dst(%dma_wait3A_219 : memref<10240x128xf32, #tpu.memory_space<vmem_shared>>)
          %add3A_220 = arith.constant 2 : i32
          %add3A_221 = arith.addi %sub3A_213, %add3A_220 : i32
          %ge3A_222 = arith.constant 40 : i32
          %ge3A_223 = arith.cmpi sge, %add3A_221, %ge3A_222 : i32
          %convert_element_type3A_224 = arith.extui %ge3A_223 : i1 to i32
          %cond3A_225 = arith.constant 0 : i32
          %cond3A_226 = arith.cmpi ne, %convert_element_type3A_224, %cond3A_225 : i32
          scf.if %cond3A_226 {
            %dma_wait3A_227 = arith.constant 0 : i32
            %dma_wait3A_228 = tpu.memref_slice %arg10[%sub3A_213, %dma_wait3A_227] : memref<40x128xi32, #tpu.memory_space<vmem>> -> memref<1x128xi32, #tpu.memory_space<vmem>>
            %dma_wait3A_229 = tpu.memref_squeeze %dma_wait3A_228 : memref<1x128xi32, #tpu.memory_space<vmem>> -> memref<128xi32, #tpu.memory_space<vmem>>
            %dma_wait3A_230 = arith.constant 0 : i32
            %dma_wait3A_231 = tpu.memref_slice %arg20[%dma_wait3A_230] : memref<10240xf32, #tpu.memory_space<vmem_shared>> -> memref<10240xf32, #tpu.memory_space<vmem_shared>>
            tpu.wait_indirect_dma semaphore(%arg18 : memref<!tpu.dma_semaphore, #tpu.memory_space<semaphore_mem>>) src(%arg13 : memref<128xf32, #tpu.memory_space<vmem>>) dst(%dma_wait3A_231 : memref<10240xf32, #tpu.memory_space<vmem_shared>>)
          } else {
          }
        } else {
        }
        %dma_start3A_206 = arith.constant 0 : i32
        %dma_start3A_207 = tpu.memref_slice %arg9[%add3A_169, %dma_start3A_206] : memref<40x128xi32, #tpu.memory_space<vmem>> -> memref<1x128xi32, #tpu.memory_space<vmem>>
        %dma_start3A_208 = tpu.memref_squeeze %dma_start3A_207 : memref<1x128xi32, #tpu.memory_space<vmem>> -> memref<128xi32, #tpu.memory_space<vmem>>
        %dma_start3A_209 = arith.constant 0 : i32
        %dma_start3A_210 = arith.constant 0 : i32
        %dma_start3A_211 = tpu.memref_slice %arg2[%dma_start3A_209, %dma_start3A_210] : memref<10240x128xf32, #tpu.memory_space<hbm>> -> memref<10240x128xf32, #tpu.memory_space<hbm>>
        tpu.enqueue_indirect_dma source(%dma_start3A_211 : memref<10240x128xf32, #tpu.memory_space<hbm>>) target(%arg11 : memref<128x128xf32, #tpu.memory_space<vmem>>) offsets(%dma_start3A_208 : memref<128xi32, #tpu.memory_space<vmem>>) semaphore(%arg14 : memref<!tpu.dma_semaphore, #tpu.memory_space<semaphore_mem>>)
      } else {
      }
    }
    %scan3A_107 = arith.constant 20 : i32
    %dma_wait3A_108 = arith.constant 38 : i32
    %dma_wait3A_109 = arith.constant 0 : i32
    %dma_wait3A_110 = tpu.memref_slice %arg10[%dma_wait3A_108, %dma_wait3A_109] : memref<40x128xi32, #tpu.memory_space<vmem>> -> memref<1x128xi32, #tpu.memory_space<vmem>>
    %dma_wait3A_111 = tpu.memref_squeeze %dma_wait3A_110 : memref<1x128xi32, #tpu.memory_space<vmem>> -> memref<128xi32, #tpu.memory_space<vmem>>
    %dma_wait3A_112 = arith.constant 0 : i32
    %dma_wait3A_113 = arith.constant 0 : i32
    %dma_wait3A_114 = tpu.memref_slice %arg19[%dma_wait3A_112, %dma_wait3A_113] : memref<10240x128xf32, #tpu.memory_space<vmem_shared>> -> memref<10240x128xf32, #tpu.memory_space<vmem_shared>>
    tpu.wait_indirect_dma semaphore(%arg15 : memref<!tpu.dma_semaphore, #tpu.memory_space<semaphore_mem>>) src(%arg11 : memref<128x128xf32, #tpu.memory_space<vmem>>) dst(%dma_wait3A_114 : memref<10240x128xf32, #tpu.memory_space<vmem_shared>>)
    %dma_wait3A_115 = arith.constant 38 : i32
    %dma_wait3A_116 = arith.constant 0 : i32
    %dma_wait3A_117 = tpu.memref_slice %arg10[%dma_wait3A_115, %dma_wait3A_116] : memref<40x128xi32, #tpu.memory_space<vmem>> -> memref<1x128xi32, #tpu.memory_space<vmem>>
    %dma_wait3A_118 = tpu.memref_squeeze %dma_wait3A_117 : memref<1x128xi32, #tpu.memory_space<vmem>> -> memref<128xi32, #tpu.memory_space<vmem>>
    %dma_wait3A_119 = arith.constant 0 : i32
    %dma_wait3A_120 = tpu.memref_slice %arg20[%dma_wait3A_119] : memref<10240xf32, #tpu.memory_space<vmem_shared>> -> memref<10240xf32, #tpu.memory_space<vmem_shared>>
    tpu.wait_indirect_dma semaphore(%arg18 : memref<!tpu.dma_semaphore, #tpu.memory_space<semaphore_mem>>) src(%arg13 : memref<128xf32, #tpu.memory_space<vmem>>) dst(%dma_wait3A_120 : memref<10240xf32, #tpu.memory_space<vmem_shared>>)
    %dma_wait3A_121 = arith.constant 39 : i32
    %dma_wait3A_122 = arith.constant 0 : i32
    %dma_wait3A_123 = tpu.memref_slice %arg10[%dma_wait3A_121, %dma_wait3A_122] : memref<40x128xi32, #tpu.memory_space<vmem>> -> memref<1x128xi32, #tpu.memory_space<vmem>>
    %dma_wait3A_124 = tpu.memref_squeeze %dma_wait3A_123 : memref<1x128xi32, #tpu.memory_space<vmem>> -> memref<128xi32, #tpu.memory_space<vmem>>
    %dma_wait3A_125 = arith.constant 0 : i32
    %dma_wait3A_126 = arith.constant 0 : i32
    %dma_wait3A_127 = tpu.memref_slice %arg19[%dma_wait3A_125, %dma_wait3A_126] : memref<10240x128xf32, #tpu.memory_space<vmem_shared>> -> memref<10240x128xf32, #tpu.memory_space<vmem_shared>>
    tpu.wait_indirect_dma semaphore(%arg17 : memref<!tpu.dma_semaphore, #tpu.memory_space<semaphore_mem>>) src(%arg12 : memref<128x128xf32, #tpu.memory_space<vmem>>) dst(%dma_wait3A_127 : memref<10240x128xf32, #tpu.memory_space<vmem_shared>>)
    %dma_wait3A_128 = arith.constant 39 : i32
    %dma_wait3A_129 = arith.constant 0 : i32
    %dma_wait3A_130 = tpu.memref_slice %arg10[%dma_wait3A_128, %dma_wait3A_129] : memref<40x128xi32, #tpu.memory_space<vmem>> -> memref<1x128xi32, #tpu.memory_space<vmem>>
    %dma_wait3A_131 = tpu.memref_squeeze %dma_wait3A_130 : memref<1x128xi32, #tpu.memory_space<vmem>> -> memref<128xi32, #tpu.memory_space<vmem>>
    %dma_wait3A_132 = arith.constant 0 : i32
    %dma_wait3A_133 = tpu.memref_slice %arg20[%dma_wait3A_132] : memref<10240xf32, #tpu.memory_space<vmem_shared>> -> memref<10240xf32, #tpu.memory_space<vmem_shared>>
    tpu.wait_indirect_dma semaphore(%arg18 : memref<!tpu.dma_semaphore, #tpu.memory_space<semaphore_mem>>) src(%arg13 : memref<128xf32, #tpu.memory_space<vmem>>) dst(%dma_wait3A_133 : memref<10240xf32, #tpu.memory_space<vmem_shared>>)
    %barrier3A_134 = arith.constant 0 : index
    tpu.barrier barrier_id(%barrier3A_134)
    %mul3A_135 = arith.constant 640 : i32
    %mul3A_136 = arith.muli %arg1, %mul3A_135 : i32
    "tpu.region"() ({
      %run_scoped3A = tpu.sem_alloc : memref<!tpu.dma_semaphore, #tpu.memory_space<semaphore_mem>>
      %dma_start3A_137 = arith.constant 0 : i32
      %dma_start3A_138 = tpu.memref_slice %arg7[%arg0, %mul3A_136, %dma_start3A_137] : memref<2x10240x128xf32, #tpu.memory_space<hbm>> -> memref<1x640x128xf32, #tpu.memory_space<hbm>>
      %dma_start3A_139 = tpu.memref_squeeze %dma_start3A_138 : memref<1x640x128xf32, #tpu.memory_space<hbm>> -> memref<640x128xf32, #tpu.memory_space<hbm>>
      %dma_start3A_140 = arith.constant 0 : i32
      %dma_start3A_141 = tpu.memref_slice %arg19[%mul3A_136, %dma_start3A_140] : memref<10240x128xf32, #tpu.memory_space<vmem_shared>> -> memref<640x128xf32, #tpu.memory_space<vmem_shared>>
      tpu.enqueue_dma source(%dma_start3A_141 : memref<640x128xf32, #tpu.memory_space<vmem_shared>>) target(%dma_start3A_139 : memref<640x128xf32, #tpu.memory_space<hbm>>) target_semaphore(%run_scoped3A : memref<!tpu.dma_semaphore, #tpu.memory_space<semaphore_mem>>)
      %dma_wait3A_142 = arith.constant 0 : i32
      %dma_wait3A_143 = tpu.memref_slice %arg7[%arg0, %mul3A_136, %dma_wait3A_142] : memref<2x10240x128xf32, #tpu.memory_space<hbm>> -> memref<1x640x128xf32, #tpu.memory_space<hbm>>
      %dma_wait3A_144 = tpu.memref_squeeze %dma_wait3A_143 : memref<1x640x128xf32, #tpu.memory_space<hbm>> -> memref<640x128xf32, #tpu.memory_space<hbm>>
      %dma_wait3A_145 = arith.constant 0 : i32
      %dma_wait3A_146 = tpu.memref_slice %arg19[%mul3A_136, %dma_wait3A_145] : memref<10240x128xf32, #tpu.memory_space<vmem_shared>> -> memref<640x128xf32, #tpu.memory_space<vmem_shared>>
      tpu.wait_dma2 semaphore(%run_scoped3A : memref<!tpu.dma_semaphore, #tpu.memory_space<semaphore_mem>>) src(%dma_wait3A_146 : memref<640x128xf32, #tpu.memory_space<vmem_shared>>) dst(%dma_wait3A_144 : memref<640x128xf32, #tpu.memory_space<hbm>>)
      tpu.yield
    }) : () -> ()
    "tpu.region"() ({
      %run_scoped3A = tpu.sem_alloc : memref<!tpu.dma_semaphore, #tpu.memory_space<semaphore_mem>>
      %dma_start3A_137 = tpu.memref_slice %arg8[%arg0, %mul3A_136] : memref<2x10240xf32, #tpu.memory_space<hbm>> -> memref<1x640xf32, #tpu.memory_space<hbm>>
      %dma_start3A_138 = tpu.memref_squeeze %dma_start3A_137 : memref<1x640xf32, #tpu.memory_space<hbm>> -> memref<640xf32, #tpu.memory_space<hbm>>
      %dma_start3A_139 = tpu.memref_slice %arg20[%mul3A_136] : memref<10240xf32, #tpu.memory_space<vmem_shared>> -> memref<640xf32, #tpu.memory_space<vmem_shared>>
      tpu.enqueue_dma source(%dma_start3A_139 : memref<640xf32, #tpu.memory_space<vmem_shared>>) target(%dma_start3A_138 : memref<640xf32, #tpu.memory_space<hbm>>) target_semaphore(%run_scoped3A : memref<!tpu.dma_semaphore, #tpu.memory_space<semaphore_mem>>)
      %dma_wait3A_140 = tpu.memref_slice %arg8[%arg0, %mul3A_136] : memref<2x10240xf32, #tpu.memory_space<hbm>> -> memref<1x640xf32, #tpu.memory_space<hbm>>
      %dma_wait3A_141 = tpu.memref_squeeze %dma_wait3A_140 : memref<1x640xf32, #tpu.memory_space<hbm>> -> memref<640xf32, #tpu.memory_space<hbm>>
      %dma_wait3A_142 = tpu.memref_slice %arg20[%mul3A_136] : memref<10240xf32, #tpu.memory_space<vmem_shared>> -> memref<640xf32, #tpu.memory_space<vmem_shared>>
      tpu.wait_dma2 semaphore(%run_scoped3A : memref<!tpu.dma_semaphore, #tpu.memory_space<semaphore_mem>>) src(%dma_wait3A_142 : memref<640xf32, #tpu.memory_space<vmem_shared>>) dst(%dma_wait3A_141 : memref<640xf32, #tpu.memory_space<hbm>>)
      tpu.yield
    }) : () -> ()
    return
  }
}

#map = affine_map<(d0, d1) -> (0, 0)>
#map1 = affine_map<(d0, d1) -> (0)>
#map2 = affine_map<(d0, d1) -> (0, 0, 0)>
module attributes {stable_mosaic.version = 14 : i64} {
  func.func @sage_segsum_sc(%arg0: i32, %arg1: i32, %arg2: memref<10240x128xf32, #tpu.memory_space<hbm>>, %arg3: memref<2560x128xi32, #tpu.memory_space<hbm>>, %arg4: memref<2560x128xi32, #tpu.memory_space<hbm>>, %arg5: memref<640x128xf32, #tpu.memory_space<hbm>>, %arg6: memref<640xf32, #tpu.memory_space<hbm>>, %arg7: memref<2x10240x128xf32, #tpu.memory_space<hbm>>, %arg8: memref<40x128xi32, #tpu.memory_space<vmem>>, %arg9: memref<40x128xi32, #tpu.memory_space<vmem>>, %arg10: memref<128x128xf32, #tpu.memory_space<vmem>>, %arg11: memref<128x128xf32, #tpu.memory_space<vmem>>, %arg12: memref<!tpu.dma_semaphore, #tpu.memory_space<semaphore_mem>>, %arg13: memref<!tpu.dma_semaphore, #tpu.memory_space<semaphore_mem>>, %arg14: memref<!tpu.dma_semaphore, #tpu.memory_space<semaphore_mem>>, %arg15: memref<!tpu.dma_semaphore, #tpu.memory_space<semaphore_mem>>, %arg16: memref<10240x128xf32, #tpu.memory_space<vmem_shared>>) attributes {dimension_semantics = [#tpu.dimension_semantics<core_parallel>, #tpu.dimension_semantics<subcore_parallel>], iteration_bounds = array<i64: 2, 16>, scalar_prefetch = 0 : i64, scratch_operands = 9 : i64, tpu.core_type = #tpu.core_type<sc_vector_subcore>, window_params = [{transform_indices = #map}, {transform_indices = #map}, {transform_indices = #map}, {transform_indices = #map}, {transform_indices = #map1}, {transform_indices = #map2}]} {
    %mul3A = arith.constant 2 : i32
    %mul3A_0 = arith.muli %arg1, %mul3A : i32
    %add3A = arith.addi %mul3A_0, %arg0 : i32
    %mul3A_1 = arith.constant 640 : i32
    %mul3A_2 = arith.muli %arg1, %mul3A_1 : i32
    "tpu.region"() ({
      %run_scoped3A = tpu.sem_alloc : memref<!tpu.dma_semaphore, #tpu.memory_space<semaphore_mem>>
      %dma_start3A_65 = arith.constant 0 : i32
      %dma_start3A_66 = tpu.memref_slice %arg16[%mul3A_2, %dma_start3A_65] : memref<10240x128xf32, #tpu.memory_space<vmem_shared>> -> memref<640x128xf32, #tpu.memory_space<vmem_shared>>
      tpu.enqueue_dma source(%arg5 : memref<640x128xf32, #tpu.memory_space<hbm>>) target(%dma_start3A_66 : memref<640x128xf32, #tpu.memory_space<vmem_shared>>) target_semaphore(%run_scoped3A : memref<!tpu.dma_semaphore, #tpu.memory_space<semaphore_mem>>)
      %dma_wait3A_67 = arith.constant 0 : i32
      %dma_wait3A_68 = tpu.memref_slice %arg16[%mul3A_2, %dma_wait3A_67] : memref<10240x128xf32, #tpu.memory_space<vmem_shared>> -> memref<640x128xf32, #tpu.memory_space<vmem_shared>>
      tpu.wait_dma2 semaphore(%run_scoped3A : memref<!tpu.dma_semaphore, #tpu.memory_space<semaphore_mem>>) src(%arg5 : memref<640x128xf32, #tpu.memory_space<hbm>>) dst(%dma_wait3A_68 : memref<640x128xf32, #tpu.memory_space<vmem_shared>>)
      tpu.yield
    }) : () -> ()
    %barrier3A = arith.constant 0 : index
    tpu.barrier barrier_id(%barrier3A)
    %mul3A_3 = arith.constant 80 : i32
    %mul3A_4 = arith.muli %add3A, %mul3A_3 : i32
    %add3A_5 = arith.constant 0 : i32
    %add3A_6 = arith.addi %mul3A_4, %add3A_5 : i32
    "tpu.region"() ({
      %run_scoped3A = tpu.sem_alloc : memref<!tpu.dma_semaphore, #tpu.memory_space<semaphore_mem>>
      %dma_start3A_65 = arith.constant 0 : i32
      %dma_start3A_66 = tpu.memref_slice %arg3[%add3A_6, %dma_start3A_65] : memref<2560x128xi32, #tpu.memory_space<hbm>> -> memref<40x128xi32, #tpu.memory_space<hbm>>
      %dma_start3A_67 = arith.constant 0 : i32
      %dma_start3A_68 = tpu.memref_slice %arg3[%add3A_6, %dma_start3A_67] : memref<2560x128xi32, #tpu.memory_space<hbm>> -> memref<40x128xi32, #tpu.memory_space<hbm>>
      tpu.enqueue_dma source(%dma_start3A_68 : memref<40x128xi32, #tpu.memory_space<hbm>>) target(%arg8 : memref<40x128xi32, #tpu.memory_space<vmem>>) target_semaphore(%run_scoped3A : memref<!tpu.dma_semaphore, #tpu.memory_space<semaphore_mem>>)
      %dma_wait3A_69 = arith.constant 0 : i32
      %dma_wait3A_70 = tpu.memref_slice %arg3[%add3A_6, %dma_wait3A_69] : memref<2560x128xi32, #tpu.memory_space<hbm>> -> memref<40x128xi32, #tpu.memory_space<hbm>>
      %dma_wait3A_71 = arith.constant 0 : i32
      %dma_wait3A_72 = tpu.memref_slice %arg3[%add3A_6, %dma_wait3A_71] : memref<2560x128xi32, #tpu.memory_space<hbm>> -> memref<40x128xi32, #tpu.memory_space<hbm>>
      tpu.wait_dma2 semaphore(%run_scoped3A : memref<!tpu.dma_semaphore, #tpu.memory_space<semaphore_mem>>) src(%dma_wait3A_72 : memref<40x128xi32, #tpu.memory_space<hbm>>) dst(%arg8 : memref<40x128xi32, #tpu.memory_space<vmem>>)
      tpu.yield
    }) : () -> ()
    "tpu.region"() ({
      %run_scoped3A = tpu.sem_alloc : memref<!tpu.dma_semaphore, #tpu.memory_space<semaphore_mem>>
      %dma_start3A_65 = arith.constant 0 : i32
      %dma_start3A_66 = tpu.memref_slice %arg4[%add3A_6, %dma_start3A_65] : memref<2560x128xi32, #tpu.memory_space<hbm>> -> memref<40x128xi32, #tpu.memory_space<hbm>>
      %dma_start3A_67 = arith.constant 0 : i32
      %dma_start3A_68 = tpu.memref_slice %arg4[%add3A_6, %dma_start3A_67] : memref<2560x128xi32, #tpu.memory_space<hbm>> -> memref<40x128xi32, #tpu.memory_space<hbm>>
      tpu.enqueue_dma source(%dma_start3A_68 : memref<40x128xi32, #tpu.memory_space<hbm>>) target(%arg9 : memref<40x128xi32, #tpu.memory_space<vmem>>) target_semaphore(%run_scoped3A : memref<!tpu.dma_semaphore, #tpu.memory_space<semaphore_mem>>)
      %dma_wait3A_69 = arith.constant 0 : i32
      %dma_wait3A_70 = tpu.memref_slice %arg4[%add3A_6, %dma_wait3A_69] : memref<2560x128xi32, #tpu.memory_space<hbm>> -> memref<40x128xi32, #tpu.memory_space<hbm>>
      %dma_wait3A_71 = arith.constant 0 : i32
      %dma_wait3A_72 = tpu.memref_slice %arg4[%add3A_6, %dma_wait3A_71] : memref<2560x128xi32, #tpu.memory_space<hbm>> -> memref<40x128xi32, #tpu.memory_space<hbm>>
      tpu.wait_dma2 semaphore(%run_scoped3A : memref<!tpu.dma_semaphore, #tpu.memory_space<semaphore_mem>>) src(%dma_wait3A_72 : memref<40x128xi32, #tpu.memory_space<hbm>>) dst(%arg9 : memref<40x128xi32, #tpu.memory_space<vmem>>)
      tpu.yield
    }) : () -> ()
    %dma_start3A = arith.constant 0 : i32
    %dma_start3A_7 = arith.constant 0 : i32
    %dma_start3A_8 = tpu.memref_slice %arg8[%dma_start3A, %dma_start3A_7] : memref<40x128xi32, #tpu.memory_space<vmem>> -> memref<1x128xi32, #tpu.memory_space<vmem>>
    %dma_start3A_9 = tpu.memref_squeeze %dma_start3A_8 : memref<1x128xi32, #tpu.memory_space<vmem>> -> memref<128xi32, #tpu.memory_space<vmem>>
    %dma_start3A_10 = arith.constant 0 : i32
    %dma_start3A_11 = arith.constant 0 : i32
    %dma_start3A_12 = tpu.memref_slice %arg2[%dma_start3A_10, %dma_start3A_11] : memref<10240x128xf32, #tpu.memory_space<hbm>> -> memref<10240x128xf32, #tpu.memory_space<hbm>>
    tpu.enqueue_indirect_dma source(%dma_start3A_12 : memref<10240x128xf32, #tpu.memory_space<hbm>>) target(%arg10 : memref<128x128xf32, #tpu.memory_space<vmem>>) offsets(%dma_start3A_9 : memref<128xi32, #tpu.memory_space<vmem>>) semaphore(%arg12 : memref<!tpu.dma_semaphore, #tpu.memory_space<semaphore_mem>>)
    %scan3A = arith.constant 0 : i32
    %scan3A_13 = arith.constant 0 : i32
    %scan3A_14 = arith.constant 20 : i32
    %scan3A_15 = arith.addi %scan3A_13, %scan3A_14 : i32
    %scan3A_16 = arith.constant 1 : i32
    scf.for %scan3A_65 = %scan3A_13 to %scan3A_15 step %scan3A_16  : i32 {
      %mul3A_66 = arith.constant 2 : i32
      %mul3A_67 = arith.muli %mul3A_66, %scan3A_65 : i32
      %add3A_68 = arith.constant 1 : i32
      %add3A_69 = arith.addi %mul3A_67, %add3A_68 : i32
      %dma_wait3A_70 = arith.constant 0 : i32
      %dma_wait3A_71 = tpu.memref_slice %arg8[%mul3A_67, %dma_wait3A_70] : memref<40x128xi32, #tpu.memory_space<vmem>> -> memref<1x128xi32, #tpu.memory_space<vmem>>
      %dma_wait3A_72 = tpu.memref_squeeze %dma_wait3A_71 : memref<1x128xi32, #tpu.memory_space<vmem>> -> memref<128xi32, #tpu.memory_space<vmem>>
      %dma_wait3A_73 = arith.constant 0 : i32
      %dma_wait3A_74 = arith.constant 0 : i32
      %dma_wait3A_75 = tpu.memref_slice %arg2[%dma_wait3A_73, %dma_wait3A_74] : memref<10240x128xf32, #tpu.memory_space<hbm>> -> memref<10240x128xf32, #tpu.memory_space<hbm>>
      tpu.wait_indirect_dma semaphore(%arg12 : memref<!tpu.dma_semaphore, #tpu.memory_space<semaphore_mem>>) src(%dma_wait3A_75 : memref<10240x128xf32, #tpu.memory_space<hbm>>) dst(%arg10 : memref<128x128xf32, #tpu.memory_space<vmem>>)
      %dma_start3A_76 = arith.constant 0 : i32
      %dma_start3A_77 = tpu.memref_slice %arg9[%mul3A_67, %dma_start3A_76] : memref<40x128xi32, #tpu.memory_space<vmem>> -> memref<1x128xi32, #tpu.memory_space<vmem>>
      %dma_start3A_78 = tpu.memref_squeeze %dma_start3A_77 : memref<1x128xi32, #tpu.memory_space<vmem>> -> memref<128xi32, #tpu.memory_space<vmem>>
      %dma_start3A_79 = arith.constant 0 : i32
      %dma_start3A_80 = arith.constant 0 : i32
      %dma_start3A_81 = tpu.memref_slice %arg16[%dma_start3A_79, %dma_start3A_80] : memref<10240x128xf32, #tpu.memory_space<vmem_shared>> -> memref<10240x128xf32, #tpu.memory_space<vmem_shared>>
      tpu.enqueue_indirect_dma source(%arg10 : memref<128x128xf32, #tpu.memory_space<vmem>>) target(%dma_start3A_81 : memref<10240x128xf32, #tpu.memory_space<vmem_shared>>) offsets(%dma_start3A_78 : memref<128xi32, #tpu.memory_space<vmem>>) semaphore(%arg13 : memref<!tpu.dma_semaphore, #tpu.memory_space<semaphore_mem>>) {add = true}
      %lt3A = arith.constant 40 : i32
      %lt3A_82 = arith.cmpi slt, %add3A_69, %lt3A : i32
      %convert_element_type3A = arith.extui %lt3A_82 : i1 to i32
      %cond3A = arith.constant 0 : i32
      %cond3A_83 = arith.cmpi ne, %convert_element_type3A, %cond3A : i32
      scf.if %cond3A_83 {
        %sub3A = arith.constant 2 : i32
        %sub3A_105 = arith.subi %add3A_69, %sub3A : i32
        %ge3A = arith.constant 0 : i32
        %ge3A_106 = arith.cmpi sge, %sub3A_105, %ge3A : i32
        %convert_element_type3A_107 = arith.extui %ge3A_106 : i1 to i32
        %cond3A_108 = arith.constant 0 : i32
        %cond3A_109 = arith.cmpi ne, %convert_element_type3A_107, %cond3A_108 : i32
        scf.if %cond3A_109 {
          %sub3A_116 = arith.constant 2 : i32
          %sub3A_117 = arith.subi %add3A_69, %sub3A_116 : i32
          %dma_wait3A_118 = arith.constant 0 : i32
          %dma_wait3A_119 = tpu.memref_slice %arg9[%sub3A_117, %dma_wait3A_118] : memref<40x128xi32, #tpu.memory_space<vmem>> -> memref<1x128xi32, #tpu.memory_space<vmem>>
          %dma_wait3A_120 = tpu.memref_squeeze %dma_wait3A_119 : memref<1x128xi32, #tpu.memory_space<vmem>> -> memref<128xi32, #tpu.memory_space<vmem>>
          %dma_wait3A_121 = arith.constant 0 : i32
          %dma_wait3A_122 = arith.constant 0 : i32
          %dma_wait3A_123 = tpu.memref_slice %arg16[%dma_wait3A_121, %dma_wait3A_122] : memref<10240x128xf32, #tpu.memory_space<vmem_shared>> -> memref<10240x128xf32, #tpu.memory_space<vmem_shared>>
          tpu.wait_indirect_dma semaphore(%arg15 : memref<!tpu.dma_semaphore, #tpu.memory_space<semaphore_mem>>) src(%arg11 : memref<128x128xf32, #tpu.memory_space<vmem>>) dst(%dma_wait3A_123 : memref<10240x128xf32, #tpu.memory_space<vmem_shared>>)
        } else {
        }
        %dma_start3A_110 = arith.constant 0 : i32
        %dma_start3A_111 = tpu.memref_slice %arg8[%add3A_69, %dma_start3A_110] : memref<40x128xi32, #tpu.memory_space<vmem>> -> memref<1x128xi32, #tpu.memory_space<vmem>>
        %dma_start3A_112 = tpu.memref_squeeze %dma_start3A_111 : memref<1x128xi32, #tpu.memory_space<vmem>> -> memref<128xi32, #tpu.memory_space<vmem>>
        %dma_start3A_113 = arith.constant 0 : i32
        %dma_start3A_114 = arith.constant 0 : i32
        %dma_start3A_115 = tpu.memref_slice %arg2[%dma_start3A_113, %dma_start3A_114] : memref<10240x128xf32, #tpu.memory_space<hbm>> -> memref<10240x128xf32, #tpu.memory_space<hbm>>
        tpu.enqueue_indirect_dma source(%dma_start3A_115 : memref<10240x128xf32, #tpu.memory_space<hbm>>) target(%arg11 : memref<128x128xf32, #tpu.memory_space<vmem>>) offsets(%dma_start3A_112 : memref<128xi32, #tpu.memory_space<vmem>>) semaphore(%arg14 : memref<!tpu.dma_semaphore, #tpu.memory_space<semaphore_mem>>)
      } else {
      }
      %add3A_84 = arith.constant 1 : i32
      %add3A_85 = arith.addi %mul3A_67, %add3A_84 : i32
      %add3A_86 = arith.constant 2 : i32
      %add3A_87 = arith.addi %mul3A_67, %add3A_86 : i32
      %dma_wait3A_88 = arith.constant 0 : i32
      %dma_wait3A_89 = tpu.memref_slice %arg8[%add3A_85, %dma_wait3A_88] : memref<40x128xi32, #tpu.memory_space<vmem>> -> memref<1x128xi32, #tpu.memory_space<vmem>>
      %dma_wait3A_90 = tpu.memref_squeeze %dma_wait3A_89 : memref<1x128xi32, #tpu.memory_space<vmem>> -> memref<128xi32, #tpu.memory_space<vmem>>
      %dma_wait3A_91 = arith.constant 0 : i32
      %dma_wait3A_92 = arith.constant 0 : i32
      %dma_wait3A_93 = tpu.memref_slice %arg2[%dma_wait3A_91, %dma_wait3A_92] : memref<10240x128xf32, #tpu.memory_space<hbm>> -> memref<10240x128xf32, #tpu.memory_space<hbm>>
      tpu.wait_indirect_dma semaphore(%arg14 : memref<!tpu.dma_semaphore, #tpu.memory_space<semaphore_mem>>) src(%dma_wait3A_93 : memref<10240x128xf32, #tpu.memory_space<hbm>>) dst(%arg11 : memref<128x128xf32, #tpu.memory_space<vmem>>)
      %dma_start3A_94 = arith.constant 0 : i32
      %dma_start3A_95 = tpu.memref_slice %arg9[%add3A_85, %dma_start3A_94] : memref<40x128xi32, #tpu.memory_space<vmem>> -> memref<1x128xi32, #tpu.memory_space<vmem>>
      %dma_start3A_96 = tpu.memref_squeeze %dma_start3A_95 : memref<1x128xi32, #tpu.memory_space<vmem>> -> memref<128xi32, #tpu.memory_space<vmem>>
      %dma_start3A_97 = arith.constant 0 : i32
      %dma_start3A_98 = arith.constant 0 : i32
      %dma_start3A_99 = tpu.memref_slice %arg16[%dma_start3A_97, %dma_start3A_98] : memref<10240x128xf32, #tpu.memory_space<vmem_shared>> -> memref<10240x128xf32, #tpu.memory_space<vmem_shared>>
      tpu.enqueue_indirect_dma source(%arg11 : memref<128x128xf32, #tpu.memory_space<vmem>>) target(%dma_start3A_99 : memref<10240x128xf32, #tpu.memory_space<vmem_shared>>) offsets(%dma_start3A_96 : memref<128xi32, #tpu.memory_space<vmem>>) semaphore(%arg15 : memref<!tpu.dma_semaphore, #tpu.memory_space<semaphore_mem>>) {add = true}
      %lt3A_100 = arith.constant 40 : i32
      %lt3A_101 = arith.cmpi slt, %add3A_87, %lt3A_100 : i32
      %convert_element_type3A_102 = arith.extui %lt3A_101 : i1 to i32
      %cond3A_103 = arith.constant 0 : i32
      %cond3A_104 = arith.cmpi ne, %convert_element_type3A_102, %cond3A_103 : i32
      scf.if %cond3A_104 {
        %sub3A = arith.constant 2 : i32
        %sub3A_105 = arith.subi %add3A_87, %sub3A : i32
        %ge3A = arith.constant 0 : i32
        %ge3A_106 = arith.cmpi sge, %sub3A_105, %ge3A : i32
        %convert_element_type3A_107 = arith.extui %ge3A_106 : i1 to i32
        %cond3A_108 = arith.constant 0 : i32
        %cond3A_109 = arith.cmpi ne, %convert_element_type3A_107, %cond3A_108 : i32
        scf.if %cond3A_109 {
          %sub3A_116 = arith.constant 2 : i32
          %sub3A_117 = arith.subi %add3A_87, %sub3A_116 : i32
          %dma_wait3A_118 = arith.constant 0 : i32
          %dma_wait3A_119 = tpu.memref_slice %arg9[%sub3A_117, %dma_wait3A_118] : memref<40x128xi32, #tpu.memory_space<vmem>> -> memref<1x128xi32, #tpu.memory_space<vmem>>
          %dma_wait3A_120 = tpu.memref_squeeze %dma_wait3A_119 : memref<1x128xi32, #tpu.memory_space<vmem>> -> memref<128xi32, #tpu.memory_space<vmem>>
          %dma_wait3A_121 = arith.constant 0 : i32
          %dma_wait3A_122 = arith.constant 0 : i32
          %dma_wait3A_123 = tpu.memref_slice %arg16[%dma_wait3A_121, %dma_wait3A_122] : memref<10240x128xf32, #tpu.memory_space<vmem_shared>> -> memref<10240x128xf32, #tpu.memory_space<vmem_shared>>
          tpu.wait_indirect_dma semaphore(%arg13 : memref<!tpu.dma_semaphore, #tpu.memory_space<semaphore_mem>>) src(%arg10 : memref<128x128xf32, #tpu.memory_space<vmem>>) dst(%dma_wait3A_123 : memref<10240x128xf32, #tpu.memory_space<vmem_shared>>)
        } else {
        }
        %dma_start3A_110 = arith.constant 0 : i32
        %dma_start3A_111 = tpu.memref_slice %arg8[%add3A_87, %dma_start3A_110] : memref<40x128xi32, #tpu.memory_space<vmem>> -> memref<1x128xi32, #tpu.memory_space<vmem>>
        %dma_start3A_112 = tpu.memref_squeeze %dma_start3A_111 : memref<1x128xi32, #tpu.memory_space<vmem>> -> memref<128xi32, #tpu.memory_space<vmem>>
        %dma_start3A_113 = arith.constant 0 : i32
        %dma_start3A_114 = arith.constant 0 : i32
        %dma_start3A_115 = tpu.memref_slice %arg2[%dma_start3A_113, %dma_start3A_114] : memref<10240x128xf32, #tpu.memory_space<hbm>> -> memref<10240x128xf32, #tpu.memory_space<hbm>>
        tpu.enqueue_indirect_dma source(%dma_start3A_115 : memref<10240x128xf32, #tpu.memory_space<hbm>>) target(%arg10 : memref<128x128xf32, #tpu.memory_space<vmem>>) offsets(%dma_start3A_112 : memref<128xi32, #tpu.memory_space<vmem>>) semaphore(%arg12 : memref<!tpu.dma_semaphore, #tpu.memory_space<semaphore_mem>>)
      } else {
      }
    }
    %scan3A_17 = arith.constant 20 : i32
    %dma_wait3A = arith.constant 38 : i32
    %dma_wait3A_18 = arith.constant 0 : i32
    %dma_wait3A_19 = tpu.memref_slice %arg9[%dma_wait3A, %dma_wait3A_18] : memref<40x128xi32, #tpu.memory_space<vmem>> -> memref<1x128xi32, #tpu.memory_space<vmem>>
    %dma_wait3A_20 = tpu.memref_squeeze %dma_wait3A_19 : memref<1x128xi32, #tpu.memory_space<vmem>> -> memref<128xi32, #tpu.memory_space<vmem>>
    %dma_wait3A_21 = arith.constant 0 : i32
    %dma_wait3A_22 = arith.constant 0 : i32
    %dma_wait3A_23 = tpu.memref_slice %arg16[%dma_wait3A_21, %dma_wait3A_22] : memref<10240x128xf32, #tpu.memory_space<vmem_shared>> -> memref<10240x128xf32, #tpu.memory_space<vmem_shared>>
    tpu.wait_indirect_dma semaphore(%arg13 : memref<!tpu.dma_semaphore, #tpu.memory_space<semaphore_mem>>) src(%arg10 : memref<128x128xf32, #tpu.memory_space<vmem>>) dst(%dma_wait3A_23 : memref<10240x128xf32, #tpu.memory_space<vmem_shared>>)
    %dma_wait3A_24 = arith.constant 39 : i32
    %dma_wait3A_25 = arith.constant 0 : i32
    %dma_wait3A_26 = tpu.memref_slice %arg9[%dma_wait3A_24, %dma_wait3A_25] : memref<40x128xi32, #tpu.memory_space<vmem>> -> memref<1x128xi32, #tpu.memory_space<vmem>>
    %dma_wait3A_27 = tpu.memref_squeeze %dma_wait3A_26 : memref<1x128xi32, #tpu.memory_space<vmem>> -> memref<128xi32, #tpu.memory_space<vmem>>
    %dma_wait3A_28 = arith.constant 0 : i32
    %dma_wait3A_29 = arith.constant 0 : i32
    %dma_wait3A_30 = tpu.memref_slice %arg16[%dma_wait3A_28, %dma_wait3A_29] : memref<10240x128xf32, #tpu.memory_space<vmem_shared>> -> memref<10240x128xf32, #tpu.memory_space<vmem_shared>>
    tpu.wait_indirect_dma semaphore(%arg15 : memref<!tpu.dma_semaphore, #tpu.memory_space<semaphore_mem>>) src(%arg11 : memref<128x128xf32, #tpu.memory_space<vmem>>) dst(%dma_wait3A_30 : memref<10240x128xf32, #tpu.memory_space<vmem_shared>>)
    %mul3A_31 = arith.constant 80 : i32
    %mul3A_32 = arith.muli %add3A, %mul3A_31 : i32
    %add3A_33 = arith.constant 40 : i32
    %add3A_34 = arith.addi %mul3A_32, %add3A_33 : i32
    "tpu.region"() ({
      %run_scoped3A = tpu.sem_alloc : memref<!tpu.dma_semaphore, #tpu.memory_space<semaphore_mem>>
      %dma_start3A_65 = arith.constant 0 : i32
      %dma_start3A_66 = tpu.memref_slice %arg3[%add3A_34, %dma_start3A_65] : memref<2560x128xi32, #tpu.memory_space<hbm>> -> memref<40x128xi32, #tpu.memory_space<hbm>>
      %dma_start3A_67 = arith.constant 0 : i32
      %dma_start3A_68 = tpu.memref_slice %arg3[%add3A_34, %dma_start3A_67] : memref<2560x128xi32, #tpu.memory_space<hbm>> -> memref<40x128xi32, #tpu.memory_space<hbm>>
      tpu.enqueue_dma source(%dma_start3A_68 : memref<40x128xi32, #tpu.memory_space<hbm>>) target(%arg8 : memref<40x128xi32, #tpu.memory_space<vmem>>) target_semaphore(%run_scoped3A : memref<!tpu.dma_semaphore, #tpu.memory_space<semaphore_mem>>)
      %dma_wait3A_69 = arith.constant 0 : i32
      %dma_wait3A_70 = tpu.memref_slice %arg3[%add3A_34, %dma_wait3A_69] : memref<2560x128xi32, #tpu.memory_space<hbm>> -> memref<40x128xi32, #tpu.memory_space<hbm>>
      %dma_wait3A_71 = arith.constant 0 : i32
      %dma_wait3A_72 = tpu.memref_slice %arg3[%add3A_34, %dma_wait3A_71] : memref<2560x128xi32, #tpu.memory_space<hbm>> -> memref<40x128xi32, #tpu.memory_space<hbm>>
      tpu.wait_dma2 semaphore(%run_scoped3A : memref<!tpu.dma_semaphore, #tpu.memory_space<semaphore_mem>>) src(%dma_wait3A_72 : memref<40x128xi32, #tpu.memory_space<hbm>>) dst(%arg8 : memref<40x128xi32, #tpu.memory_space<vmem>>)
      tpu.yield
    }) : () -> ()
    "tpu.region"() ({
      %run_scoped3A = tpu.sem_alloc : memref<!tpu.dma_semaphore, #tpu.memory_space<semaphore_mem>>
      %dma_start3A_65 = arith.constant 0 : i32
      %dma_start3A_66 = tpu.memref_slice %arg4[%add3A_34, %dma_start3A_65] : memref<2560x128xi32, #tpu.memory_space<hbm>> -> memref<40x128xi32, #tpu.memory_space<hbm>>
      %dma_start3A_67 = arith.constant 0 : i32
      %dma_start3A_68 = tpu.memref_slice %arg4[%add3A_34, %dma_start3A_67] : memref<2560x128xi32, #tpu.memory_space<hbm>> -> memref<40x128xi32, #tpu.memory_space<hbm>>
      tpu.enqueue_dma source(%dma_start3A_68 : memref<40x128xi32, #tpu.memory_space<hbm>>) target(%arg9 : memref<40x128xi32, #tpu.memory_space<vmem>>) target_semaphore(%run_scoped3A : memref<!tpu.dma_semaphore, #tpu.memory_space<semaphore_mem>>)
      %dma_wait3A_69 = arith.constant 0 : i32
      %dma_wait3A_70 = tpu.memref_slice %arg4[%add3A_34, %dma_wait3A_69] : memref<2560x128xi32, #tpu.memory_space<hbm>> -> memref<40x128xi32, #tpu.memory_space<hbm>>
      %dma_wait3A_71 = arith.constant 0 : i32
      %dma_wait3A_72 = tpu.memref_slice %arg4[%add3A_34, %dma_wait3A_71] : memref<2560x128xi32, #tpu.memory_space<hbm>> -> memref<40x128xi32, #tpu.memory_space<hbm>>
      tpu.wait_dma2 semaphore(%run_scoped3A : memref<!tpu.dma_semaphore, #tpu.memory_space<semaphore_mem>>) src(%dma_wait3A_72 : memref<40x128xi32, #tpu.memory_space<hbm>>) dst(%arg9 : memref<40x128xi32, #tpu.memory_space<vmem>>)
      tpu.yield
    }) : () -> ()
    %dma_start3A_35 = arith.constant 0 : i32
    %dma_start3A_36 = arith.constant 0 : i32
    %dma_start3A_37 = tpu.memref_slice %arg8[%dma_start3A_35, %dma_start3A_36] : memref<40x128xi32, #tpu.memory_space<vmem>> -> memref<1x128xi32, #tpu.memory_space<vmem>>
    %dma_start3A_38 = tpu.memref_squeeze %dma_start3A_37 : memref<1x128xi32, #tpu.memory_space<vmem>> -> memref<128xi32, #tpu.memory_space<vmem>>
    %dma_start3A_39 = arith.constant 0 : i32
    %dma_start3A_40 = arith.constant 0 : i32
    %dma_start3A_41 = tpu.memref_slice %arg2[%dma_start3A_39, %dma_start3A_40] : memref<10240x128xf32, #tpu.memory_space<hbm>> -> memref<10240x128xf32, #tpu.memory_space<hbm>>
    tpu.enqueue_indirect_dma source(%dma_start3A_41 : memref<10240x128xf32, #tpu.memory_space<hbm>>) target(%arg10 : memref<128x128xf32, #tpu.memory_space<vmem>>) offsets(%dma_start3A_38 : memref<128xi32, #tpu.memory_space<vmem>>) semaphore(%arg12 : memref<!tpu.dma_semaphore, #tpu.memory_space<semaphore_mem>>)
    %scan3A_42 = arith.constant 0 : i32
    %scan3A_43 = arith.constant 0 : i32
    %scan3A_44 = arith.constant 20 : i32
    %scan3A_45 = arith.addi %scan3A_43, %scan3A_44 : i32
    %scan3A_46 = arith.constant 1 : i32
    scf.for %scan3A_65 = %scan3A_43 to %scan3A_45 step %scan3A_46  : i32 {
      %mul3A_66 = arith.constant 2 : i32
      %mul3A_67 = arith.muli %mul3A_66, %scan3A_65 : i32
      %add3A_68 = arith.constant 1 : i32
      %add3A_69 = arith.addi %mul3A_67, %add3A_68 : i32
      %dma_wait3A_70 = arith.constant 0 : i32
      %dma_wait3A_71 = tpu.memref_slice %arg8[%mul3A_67, %dma_wait3A_70] : memref<40x128xi32, #tpu.memory_space<vmem>> -> memref<1x128xi32, #tpu.memory_space<vmem>>
      %dma_wait3A_72 = tpu.memref_squeeze %dma_wait3A_71 : memref<1x128xi32, #tpu.memory_space<vmem>> -> memref<128xi32, #tpu.memory_space<vmem>>
      %dma_wait3A_73 = arith.constant 0 : i32
      %dma_wait3A_74 = arith.constant 0 : i32
      %dma_wait3A_75 = tpu.memref_slice %arg2[%dma_wait3A_73, %dma_wait3A_74] : memref<10240x128xf32, #tpu.memory_space<hbm>> -> memref<10240x128xf32, #tpu.memory_space<hbm>>
      tpu.wait_indirect_dma semaphore(%arg12 : memref<!tpu.dma_semaphore, #tpu.memory_space<semaphore_mem>>) src(%dma_wait3A_75 : memref<10240x128xf32, #tpu.memory_space<hbm>>) dst(%arg10 : memref<128x128xf32, #tpu.memory_space<vmem>>)
      %dma_start3A_76 = arith.constant 0 : i32
      %dma_start3A_77 = tpu.memref_slice %arg9[%mul3A_67, %dma_start3A_76] : memref<40x128xi32, #tpu.memory_space<vmem>> -> memref<1x128xi32, #tpu.memory_space<vmem>>
      %dma_start3A_78 = tpu.memref_squeeze %dma_start3A_77 : memref<1x128xi32, #tpu.memory_space<vmem>> -> memref<128xi32, #tpu.memory_space<vmem>>
      %dma_start3A_79 = arith.constant 0 : i32
      %dma_start3A_80 = arith.constant 0 : i32
      %dma_start3A_81 = tpu.memref_slice %arg16[%dma_start3A_79, %dma_start3A_80] : memref<10240x128xf32, #tpu.memory_space<vmem_shared>> -> memref<10240x128xf32, #tpu.memory_space<vmem_shared>>
      tpu.enqueue_indirect_dma source(%arg10 : memref<128x128xf32, #tpu.memory_space<vmem>>) target(%dma_start3A_81 : memref<10240x128xf32, #tpu.memory_space<vmem_shared>>) offsets(%dma_start3A_78 : memref<128xi32, #tpu.memory_space<vmem>>) semaphore(%arg13 : memref<!tpu.dma_semaphore, #tpu.memory_space<semaphore_mem>>) {add = true}
      %lt3A = arith.constant 40 : i32
      %lt3A_82 = arith.cmpi slt, %add3A_69, %lt3A : i32
      %convert_element_type3A = arith.extui %lt3A_82 : i1 to i32
      %cond3A = arith.constant 0 : i32
      %cond3A_83 = arith.cmpi ne, %convert_element_type3A, %cond3A : i32
      scf.if %cond3A_83 {
        %sub3A = arith.constant 2 : i32
        %sub3A_105 = arith.subi %add3A_69, %sub3A : i32
        %ge3A = arith.constant 0 : i32
        %ge3A_106 = arith.cmpi sge, %sub3A_105, %ge3A : i32
        %convert_element_type3A_107 = arith.extui %ge3A_106 : i1 to i32
        %cond3A_108 = arith.constant 0 : i32
        %cond3A_109 = arith.cmpi ne, %convert_element_type3A_107, %cond3A_108 : i32
        scf.if %cond3A_109 {
          %sub3A_116 = arith.constant 2 : i32
          %sub3A_117 = arith.subi %add3A_69, %sub3A_116 : i32
          %dma_wait3A_118 = arith.constant 0 : i32
          %dma_wait3A_119 = tpu.memref_slice %arg9[%sub3A_117, %dma_wait3A_118] : memref<40x128xi32, #tpu.memory_space<vmem>> -> memref<1x128xi32, #tpu.memory_space<vmem>>
          %dma_wait3A_120 = tpu.memref_squeeze %dma_wait3A_119 : memref<1x128xi32, #tpu.memory_space<vmem>> -> memref<128xi32, #tpu.memory_space<vmem>>
          %dma_wait3A_121 = arith.constant 0 : i32
          %dma_wait3A_122 = arith.constant 0 : i32
          %dma_wait3A_123 = tpu.memref_slice %arg16[%dma_wait3A_121, %dma_wait3A_122] : memref<10240x128xf32, #tpu.memory_space<vmem_shared>> -> memref<10240x128xf32, #tpu.memory_space<vmem_shared>>
          tpu.wait_indirect_dma semaphore(%arg15 : memref<!tpu.dma_semaphore, #tpu.memory_space<semaphore_mem>>) src(%arg11 : memref<128x128xf32, #tpu.memory_space<vmem>>) dst(%dma_wait3A_123 : memref<10240x128xf32, #tpu.memory_space<vmem_shared>>)
        } else {
        }
        %dma_start3A_110 = arith.constant 0 : i32
        %dma_start3A_111 = tpu.memref_slice %arg8[%add3A_69, %dma_start3A_110] : memref<40x128xi32, #tpu.memory_space<vmem>> -> memref<1x128xi32, #tpu.memory_space<vmem>>
        %dma_start3A_112 = tpu.memref_squeeze %dma_start3A_111 : memref<1x128xi32, #tpu.memory_space<vmem>> -> memref<128xi32, #tpu.memory_space<vmem>>
        %dma_start3A_113 = arith.constant 0 : i32
        %dma_start3A_114 = arith.constant 0 : i32
        %dma_start3A_115 = tpu.memref_slice %arg2[%dma_start3A_113, %dma_start3A_114] : memref<10240x128xf32, #tpu.memory_space<hbm>> -> memref<10240x128xf32, #tpu.memory_space<hbm>>
        tpu.enqueue_indirect_dma source(%dma_start3A_115 : memref<10240x128xf32, #tpu.memory_space<hbm>>) target(%arg11 : memref<128x128xf32, #tpu.memory_space<vmem>>) offsets(%dma_start3A_112 : memref<128xi32, #tpu.memory_space<vmem>>) semaphore(%arg14 : memref<!tpu.dma_semaphore, #tpu.memory_space<semaphore_mem>>)
      } else {
      }
      %add3A_84 = arith.constant 1 : i32
      %add3A_85 = arith.addi %mul3A_67, %add3A_84 : i32
      %add3A_86 = arith.constant 2 : i32
      %add3A_87 = arith.addi %mul3A_67, %add3A_86 : i32
      %dma_wait3A_88 = arith.constant 0 : i32
      %dma_wait3A_89 = tpu.memref_slice %arg8[%add3A_85, %dma_wait3A_88] : memref<40x128xi32, #tpu.memory_space<vmem>> -> memref<1x128xi32, #tpu.memory_space<vmem>>
      %dma_wait3A_90 = tpu.memref_squeeze %dma_wait3A_89 : memref<1x128xi32, #tpu.memory_space<vmem>> -> memref<128xi32, #tpu.memory_space<vmem>>
      %dma_wait3A_91 = arith.constant 0 : i32
      %dma_wait3A_92 = arith.constant 0 : i32
      %dma_wait3A_93 = tpu.memref_slice %arg2[%dma_wait3A_91, %dma_wait3A_92] : memref<10240x128xf32, #tpu.memory_space<hbm>> -> memref<10240x128xf32, #tpu.memory_space<hbm>>
      tpu.wait_indirect_dma semaphore(%arg14 : memref<!tpu.dma_semaphore, #tpu.memory_space<semaphore_mem>>) src(%dma_wait3A_93 : memref<10240x128xf32, #tpu.memory_space<hbm>>) dst(%arg11 : memref<128x128xf32, #tpu.memory_space<vmem>>)
      %dma_start3A_94 = arith.constant 0 : i32
      %dma_start3A_95 = tpu.memref_slice %arg9[%add3A_85, %dma_start3A_94] : memref<40x128xi32, #tpu.memory_space<vmem>> -> memref<1x128xi32, #tpu.memory_space<vmem>>
      %dma_start3A_96 = tpu.memref_squeeze %dma_start3A_95 : memref<1x128xi32, #tpu.memory_space<vmem>> -> memref<128xi32, #tpu.memory_space<vmem>>
      %dma_start3A_97 = arith.constant 0 : i32
      %dma_start3A_98 = arith.constant 0 : i32
      %dma_start3A_99 = tpu.memref_slice %arg16[%dma_start3A_97, %dma_start3A_98] : memref<10240x128xf32, #tpu.memory_space<vmem_shared>> -> memref<10240x128xf32, #tpu.memory_space<vmem_shared>>
      tpu.enqueue_indirect_dma source(%arg11 : memref<128x128xf32, #tpu.memory_space<vmem>>) target(%dma_start3A_99 : memref<10240x128xf32, #tpu.memory_space<vmem_shared>>) offsets(%dma_start3A_96 : memref<128xi32, #tpu.memory_space<vmem>>) semaphore(%arg15 : memref<!tpu.dma_semaphore, #tpu.memory_space<semaphore_mem>>) {add = true}
      %lt3A_100 = arith.constant 40 : i32
      %lt3A_101 = arith.cmpi slt, %add3A_87, %lt3A_100 : i32
      %convert_element_type3A_102 = arith.extui %lt3A_101 : i1 to i32
      %cond3A_103 = arith.constant 0 : i32
      %cond3A_104 = arith.cmpi ne, %convert_element_type3A_102, %cond3A_103 : i32
      scf.if %cond3A_104 {
        %sub3A = arith.constant 2 : i32
        %sub3A_105 = arith.subi %add3A_87, %sub3A : i32
        %ge3A = arith.constant 0 : i32
        %ge3A_106 = arith.cmpi sge, %sub3A_105, %ge3A : i32
        %convert_element_type3A_107 = arith.extui %ge3A_106 : i1 to i32
        %cond3A_108 = arith.constant 0 : i32
        %cond3A_109 = arith.cmpi ne, %convert_element_type3A_107, %cond3A_108 : i32
        scf.if %cond3A_109 {
          %sub3A_116 = arith.constant 2 : i32
          %sub3A_117 = arith.subi %add3A_87, %sub3A_116 : i32
          %dma_wait3A_118 = arith.constant 0 : i32
          %dma_wait3A_119 = tpu.memref_slice %arg9[%sub3A_117, %dma_wait3A_118] : memref<40x128xi32, #tpu.memory_space<vmem>> -> memref<1x128xi32, #tpu.memory_space<vmem>>
          %dma_wait3A_120 = tpu.memref_squeeze %dma_wait3A_119 : memref<1x128xi32, #tpu.memory_space<vmem>> -> memref<128xi32, #tpu.memory_space<vmem>>
          %dma_wait3A_121 = arith.constant 0 : i32
          %dma_wait3A_122 = arith.constant 0 : i32
          %dma_wait3A_123 = tpu.memref_slice %arg16[%dma_wait3A_121, %dma_wait3A_122] : memref<10240x128xf32, #tpu.memory_space<vmem_shared>> -> memref<10240x128xf32, #tpu.memory_space<vmem_shared>>
          tpu.wait_indirect_dma semaphore(%arg13 : memref<!tpu.dma_semaphore, #tpu.memory_space<semaphore_mem>>) src(%arg10 : memref<128x128xf32, #tpu.memory_space<vmem>>) dst(%dma_wait3A_123 : memref<10240x128xf32, #tpu.memory_space<vmem_shared>>)
        } else {
        }
        %dma_start3A_110 = arith.constant 0 : i32
        %dma_start3A_111 = tpu.memref_slice %arg8[%add3A_87, %dma_start3A_110] : memref<40x128xi32, #tpu.memory_space<vmem>> -> memref<1x128xi32, #tpu.memory_space<vmem>>
        %dma_start3A_112 = tpu.memref_squeeze %dma_start3A_111 : memref<1x128xi32, #tpu.memory_space<vmem>> -> memref<128xi32, #tpu.memory_space<vmem>>
        %dma_start3A_113 = arith.constant 0 : i32
        %dma_start3A_114 = arith.constant 0 : i32
        %dma_start3A_115 = tpu.memref_slice %arg2[%dma_start3A_113, %dma_start3A_114] : memref<10240x128xf32, #tpu.memory_space<hbm>> -> memref<10240x128xf32, #tpu.memory_space<hbm>>
        tpu.enqueue_indirect_dma source(%dma_start3A_115 : memref<10240x128xf32, #tpu.memory_space<hbm>>) target(%arg10 : memref<128x128xf32, #tpu.memory_space<vmem>>) offsets(%dma_start3A_112 : memref<128xi32, #tpu.memory_space<vmem>>) semaphore(%arg12 : memref<!tpu.dma_semaphore, #tpu.memory_space<semaphore_mem>>)
      } else {
      }
    }
    %scan3A_47 = arith.constant 20 : i32
    %dma_wait3A_48 = arith.constant 38 : i32
    %dma_wait3A_49 = arith.constant 0 : i32
    %dma_wait3A_50 = tpu.memref_slice %arg9[%dma_wait3A_48, %dma_wait3A_49] : memref<40x128xi32, #tpu.memory_space<vmem>> -> memref<1x128xi32, #tpu.memory_space<vmem>>
    %dma_wait3A_51 = tpu.memref_squeeze %dma_wait3A_50 : memref<1x128xi32, #tpu.memory_space<vmem>> -> memref<128xi32, #tpu.memory_space<vmem>>
    %dma_wait3A_52 = arith.constant 0 : i32
    %dma_wait3A_53 = arith.constant 0 : i32
    %dma_wait3A_54 = tpu.memref_slice %arg16[%dma_wait3A_52, %dma_wait3A_53] : memref<10240x128xf32, #tpu.memory_space<vmem_shared>> -> memref<10240x128xf32, #tpu.memory_space<vmem_shared>>
    tpu.wait_indirect_dma semaphore(%arg13 : memref<!tpu.dma_semaphore, #tpu.memory_space<semaphore_mem>>) src(%arg10 : memref<128x128xf32, #tpu.memory_space<vmem>>) dst(%dma_wait3A_54 : memref<10240x128xf32, #tpu.memory_space<vmem_shared>>)
    %dma_wait3A_55 = arith.constant 39 : i32
    %dma_wait3A_56 = arith.constant 0 : i32
    %dma_wait3A_57 = tpu.memref_slice %arg9[%dma_wait3A_55, %dma_wait3A_56] : memref<40x128xi32, #tpu.memory_space<vmem>> -> memref<1x128xi32, #tpu.memory_space<vmem>>
    %dma_wait3A_58 = tpu.memref_squeeze %dma_wait3A_57 : memref<1x128xi32, #tpu.memory_space<vmem>> -> memref<128xi32, #tpu.memory_space<vmem>>
    %dma_wait3A_59 = arith.constant 0 : i32
    %dma_wait3A_60 = arith.constant 0 : i32
    %dma_wait3A_61 = tpu.memref_slice %arg16[%dma_wait3A_59, %dma_wait3A_60] : memref<10240x128xf32, #tpu.memory_space<vmem_shared>> -> memref<10240x128xf32, #tpu.memory_space<vmem_shared>>
    tpu.wait_indirect_dma semaphore(%arg15 : memref<!tpu.dma_semaphore, #tpu.memory_space<semaphore_mem>>) src(%arg11 : memref<128x128xf32, #tpu.memory_space<vmem>>) dst(%dma_wait3A_61 : memref<10240x128xf32, #tpu.memory_space<vmem_shared>>)
    %barrier3A_62 = arith.constant 0 : index
    tpu.barrier barrier_id(%barrier3A_62)
    %mul3A_63 = arith.constant 640 : i32
    %mul3A_64 = arith.muli %arg1, %mul3A_63 : i32
    "tpu.region"() ({
      %run_scoped3A = tpu.sem_alloc : memref<!tpu.dma_semaphore, #tpu.memory_space<semaphore_mem>>
      %dma_start3A_65 = arith.constant 0 : i32
      %dma_start3A_66 = tpu.memref_slice %arg7[%arg0, %mul3A_64, %dma_start3A_65] : memref<2x10240x128xf32, #tpu.memory_space<hbm>> -> memref<1x640x128xf32, #tpu.memory_space<hbm>>
      %dma_start3A_67 = tpu.memref_squeeze %dma_start3A_66 : memref<1x640x128xf32, #tpu.memory_space<hbm>> -> memref<640x128xf32, #tpu.memory_space<hbm>>
      %dma_start3A_68 = arith.constant 0 : i32
      %dma_start3A_69 = tpu.memref_slice %arg16[%mul3A_64, %dma_start3A_68] : memref<10240x128xf32, #tpu.memory_space<vmem_shared>> -> memref<640x128xf32, #tpu.memory_space<vmem_shared>>
      tpu.enqueue_dma source(%dma_start3A_69 : memref<640x128xf32, #tpu.memory_space<vmem_shared>>) target(%dma_start3A_67 : memref<640x128xf32, #tpu.memory_space<hbm>>) target_semaphore(%run_scoped3A : memref<!tpu.dma_semaphore, #tpu.memory_space<semaphore_mem>>)
      %dma_wait3A_70 = arith.constant 0 : i32
      %dma_wait3A_71 = tpu.memref_slice %arg7[%arg0, %mul3A_64, %dma_wait3A_70] : memref<2x10240x128xf32, #tpu.memory_space<hbm>> -> memref<1x640x128xf32, #tpu.memory_space<hbm>>
      %dma_wait3A_72 = tpu.memref_squeeze %dma_wait3A_71 : memref<1x640x128xf32, #tpu.memory_space<hbm>> -> memref<640x128xf32, #tpu.memory_space<hbm>>
      %dma_wait3A_73 = arith.constant 0 : i32
      %dma_wait3A_74 = tpu.memref_slice %arg16[%mul3A_64, %dma_wait3A_73] : memref<10240x128xf32, #tpu.memory_space<vmem_shared>> -> memref<640x128xf32, #tpu.memory_space<vmem_shared>>
      tpu.wait_dma2 semaphore(%run_scoped3A : memref<!tpu.dma_semaphore, #tpu.memory_space<semaphore_mem>>) src(%dma_wait3A_74 : memref<640x128xf32, #tpu.memory_space<vmem_shared>>) dst(%dma_wait3A_72 : memref<640x128xf32, #tpu.memory_space<hbm>>)
      tpu.yield
    }) : () -> ()
    return
  }
}

module attributes {stable_mosaic.version = 14 : i64} {
  func.func @_dense_body(%arg0: i32, %arg1: memref<1280x128xf32, #tpu.memory_space<vmem>>, %arg2: memref<1280x128xf32, #tpu.memory_space<vmem>>, %arg3: memref<1280x1xf32, #tpu.memory_space<vmem>>, %arg4: memref<1280x1xf32, #tpu.memory_space<vmem>>, %arg5: memref<1280x128xf32, #tpu.memory_space<vmem>>, %arg6: memref<128x128xf32, #tpu.memory_space<vmem>>, %arg7: memref<1x128xf32, #tpu.memory_space<vmem>>, %arg8: memref<128x128xf32, #tpu.memory_space<vmem>>, %arg9: memref<1280x128xf32, #tpu.memory_space<vmem>>) attributes {dimension_semantics = [#tpu.dimension_semantics<arbitrary>], iteration_bounds = array<i64: 8>, scalar_prefetch = 0 : i64, scratch_operands = 0 : i64, tpu.core_type = #tpu.core_type<tc>, window_params = [{transform_indices = @transform_0, window_bounds = array<i64: 1280, 128>}, {transform_indices = @transform_1, window_bounds = array<i64: 1280, 128>}, {transform_indices = @transform_2, window_bounds = array<i64: 1280, 1>}, {transform_indices = @transform_3, window_bounds = array<i64: 1280, 1>}, {transform_indices = @transform_4, window_bounds = array<i64: 1280, 128>}, {pipeline_mode = #tpu.pipeline_mode<synchronous>, transform_indices = @transform_5, window_bounds = array<i64: 128, 128>}, {pipeline_mode = #tpu.pipeline_mode<synchronous>, transform_indices = @transform_6, window_bounds = array<i64: 1, 128>}, {pipeline_mode = #tpu.pipeline_mode<synchronous>, transform_indices = @transform_7, window_bounds = array<i64: 128, 128>}, {transform_indices = @transform_8, window_bounds = array<i64: 1280, 128>}]} {
    %get3A = arith.constant 0 : index
    %get3A_0 = arith.constant 0 : index
    %get3A_1 = vector.load %arg3[%get3A, %get3A_0] : memref<1280x1xf32, #tpu.memory_space<vmem>>, vector<1280x1xf32>
    %get3A_2 = arith.constant 0 : index
    %get3A_3 = arith.constant 0 : index
    %get3A_4 = vector.load %arg4[%get3A_2, %get3A_3] : memref<1280x1xf32, #tpu.memory_space<vmem>>, vector<1280x1xf32>
    %add3A = arith.addf %get3A_1, %get3A_4 : vector<1280x1xf32>
    %max3A = arith.constant 1.000000e+00 : f32
    %max3A_5 = vector.broadcast %max3A : f32 to vector<1280x1xf32>
    %max3A_6 = arith.maximumf %add3A, %max3A_5 : vector<1280x1xf32>
    %get3A_7 = arith.constant 0 : index
    %get3A_8 = arith.constant 0 : index
    %get3A_9 = vector.load %arg1[%get3A_7, %get3A_8] : memref<1280x128xf32, #tpu.memory_space<vmem>>, vector<1280x128xf32>
    %get3A_10 = arith.constant 0 : index
    %get3A_11 = arith.constant 0 : index
    %get3A_12 = vector.load %arg2[%get3A_10, %get3A_11] : memref<1280x128xf32, #tpu.memory_space<vmem>>, vector<1280x128xf32>
    %add3A_13 = arith.addf %get3A_9, %get3A_12 : vector<1280x128xf32>
    %div3A = vector.broadcast %max3A_6 : vector<1280x1xf32> to vector<1280x128xf32>
    %div3A_14 = arith.divf %add3A_13, %div3A : vector<1280x128xf32>
    %get3A_15 = arith.constant 0 : index
    %get3A_16 = arith.constant 0 : index
    %get3A_17 = vector.load %arg6[%get3A_15, %get3A_16] : memref<128x128xf32, #tpu.memory_space<vmem>>, vector<128x128xf32>
    %dot_general3A = arith.constant dense<0.000000e+00> : vector<1280x128xf32>
    %dot_general3A_18 = tpu.matmul %div3A_14, %get3A_17, %dot_general3A {dimension_numbers = #tpu.dot_dimension_numbers<[1], [0], [0], [1], [0, 0, 1, 1], [], []>, transpose_lhs_hint = false} : vector<1280x128xf32>, vector<128x128xf32>, vector<1280x128xf32> -> vector<1280x128xf32>
    %get3A_19 = arith.constant 0 : index
    %get3A_20 = arith.constant 0 : index
    %get3A_21 = vector.load %arg7[%get3A_19, %get3A_20] : memref<1x128xf32, #tpu.memory_space<vmem>>, vector<1x128xf32>
    %add3A_22 = vector.broadcast %get3A_21 : vector<1x128xf32> to vector<1280x128xf32>
    %add3A_23 = arith.addf %dot_general3A_18, %add3A_22 : vector<1280x128xf32>
    %get3A_24 = arith.constant 0 : index
    %get3A_25 = arith.constant 0 : index
    %get3A_26 = vector.load %arg5[%get3A_24, %get3A_25] : memref<1280x128xf32, #tpu.memory_space<vmem>>, vector<1280x128xf32>
    %get3A_27 = arith.constant 0 : index
    %get3A_28 = arith.constant 0 : index
    %get3A_29 = vector.load %arg8[%get3A_27, %get3A_28] : memref<128x128xf32, #tpu.memory_space<vmem>>, vector<128x128xf32>
    %dot_general3A_30 = arith.constant dense<0.000000e+00> : vector<1280x128xf32>
    %dot_general3A_31 = tpu.matmul %get3A_26, %get3A_29, %dot_general3A_30 {dimension_numbers = #tpu.dot_dimension_numbers<[1], [0], [0], [1], [0, 0, 1, 1], [], []>, transpose_lhs_hint = false} : vector<1280x128xf32>, vector<128x128xf32>, vector<1280x128xf32> -> vector<1280x128xf32>
    %add3A_32 = arith.addf %add3A_23, %dot_general3A_31 : vector<1280x128xf32>
    %max3A_33 = arith.constant 0.000000e+00 : f32
    %max3A_34 = vector.broadcast %max3A_33 : f32 to vector<1280x128xf32>
    %max3A_35 = arith.maximumf %add3A_32, %max3A_34 : vector<1280x128xf32>
    %swap3A = arith.constant 0 : index
    %swap3A_36 = arith.constant 0 : index
    %swap3A_37 = vector.load %arg9[%swap3A, %swap3A_36] : memref<1280x128xf32, #tpu.memory_space<vmem>>, vector<1280x128xf32>
    tpu.vector_store %arg9[%swap3A, %swap3A_36], %max3A_35 {strides = array<i32>} : memref<1280x128xf32, #tpu.memory_space<vmem>>, vector<1280x128xf32>,
    return
  }
  func.func @transform_0(%arg0: i32) -> (i32, i32) {
    %c0_i32 = arith.constant 0 : i32
    %c0_i32_0 = arith.constant 0 : i32
    return %arg0, %c0_i32 : i32, i32
  }
  func.func @transform_1(%arg0: i32) -> (i32, i32) {
    %c0_i32 = arith.constant 0 : i32
    %c0_i32_0 = arith.constant 0 : i32
    return %arg0, %c0_i32 : i32, i32
  }
  func.func @transform_2(%arg0: i32) -> (i32, i32) {
    %c0_i32 = arith.constant 0 : i32
    %c0_i32_0 = arith.constant 0 : i32
    return %arg0, %c0_i32 : i32, i32
  }
  func.func @transform_3(%arg0: i32) -> (i32, i32) {
    %c0_i32 = arith.constant 0 : i32
    %c0_i32_0 = arith.constant 0 : i32
    return %arg0, %c0_i32 : i32, i32
  }
  func.func @transform_4(%arg0: i32) -> (i32, i32) {
    %c0_i32 = arith.constant 0 : i32
    %c0_i32_0 = arith.constant 0 : i32
    return %arg0, %c0_i32 : i32, i32
  }
  func.func @transform_5(%arg0: i32) -> (i32, i32) {
    %c0_i32 = arith.constant 0 : i32
    %c0_i32_0 = arith.constant 0 : i32
    %c0_i32_1 = arith.constant 0 : i32
    return %c0_i32, %c0_i32_0 : i32, i32
  }
  func.func @transform_6(%arg0: i32) -> (i32, i32) {
    %c0_i32 = arith.constant 0 : i32
    %c0_i32_0 = arith.constant 0 : i32
    %c0_i32_1 = arith.constant 0 : i32
    return %c0_i32, %c0_i32_0 : i32, i32
  }
  func.func @transform_7(%arg0: i32) -> (i32, i32) {
    %c0_i32 = arith.constant 0 : i32
    %c0_i32_0 = arith.constant 0 : i32
    %c0_i32_1 = arith.constant 0 : i32
    return %c0_i32, %c0_i32_0 : i32, i32
  }
  func.func @transform_8(%arg0: i32) -> (i32, i32) {
    %c0_i32 = arith.constant 0 : i32
    %c0_i32_0 = arith.constant 0 : i32
    return %arg0, %c0_i32 : i32, i32
  }
}

module attributes {stable_mosaic.version = 14 : i64} {
  func.func @_tail_body(%arg0: memref<10240x128xf32, #tpu.memory_space<vmem>>, %arg1: memref<10240x128xf32, #tpu.memory_space<vmem>>, %arg2: memref<10240x1xf32, #tpu.memory_space<vmem>>, %arg3: memref<10240x1xf32, #tpu.memory_space<vmem>>, %arg4: memref<10240x128xf32, #tpu.memory_space<vmem>>, %arg5: memref<128x128xf32, #tpu.memory_space<vmem>>, %arg6: memref<1x128xf32, #tpu.memory_space<vmem>>, %arg7: memref<128x128xf32, #tpu.memory_space<vmem>>, %arg8: memref<80x128xi32, #tpu.memory_space<vmem>>, %arg9: memref<128x8xi32, #tpu.memory_space<vmem>>, %arg10: memref<128x128xf32, #tpu.memory_space<vmem>>, %arg11: memref<128x128xf32, #tpu.memory_space<vmem>>, %arg12: memref<128x128xf32, #tpu.memory_space<vmem>>, %arg13: memref<1x128xf32, #tpu.memory_space<vmem>>, %arg14: memref<128x128xf32, #tpu.memory_space<vmem>>, %arg15: memref<1x128xf32, #tpu.memory_space<vmem>>, %arg16: memref<128x128xf32, #tpu.memory_space<vmem>>, %arg17: memref<1x128xf32, #tpu.memory_space<vmem>>, %arg18: memref<128x128xf32, #tpu.memory_space<vmem>>) attributes {dimension_semantics = [], scalar_prefetch = 0 : i64, scratch_operands = 0 : i64, tpu.core_type = #tpu.core_type<tc>} {
    %get3A = arith.constant 0 : index
    %get3A_0 = arith.constant 0 : index
    %get3A_1 = vector.load %arg2[%get3A, %get3A_0] : memref<10240x1xf32, #tpu.memory_space<vmem>>, vector<10240x1xf32>
    %get3A_2 = arith.constant 0 : index
    %get3A_3 = arith.constant 0 : index
    %get3A_4 = vector.load %arg3[%get3A_2, %get3A_3] : memref<10240x1xf32, #tpu.memory_space<vmem>>, vector<10240x1xf32>
    %add3A = arith.addf %get3A_1, %get3A_4 : vector<10240x1xf32>
    %max3A = arith.constant 1.000000e+00 : f32
    %max3A_5 = vector.broadcast %max3A : f32 to vector<10240x1xf32>
    %max3A_6 = arith.maximumf %add3A, %max3A_5 : vector<10240x1xf32>
    %get3A_7 = arith.constant 0 : index
    %get3A_8 = arith.constant 0 : index
    %get3A_9 = vector.load %arg0[%get3A_7, %get3A_8] : memref<10240x128xf32, #tpu.memory_space<vmem>>, vector<10240x128xf32>
    %get3A_10 = arith.constant 0 : index
    %get3A_11 = arith.constant 0 : index
    %get3A_12 = vector.load %arg1[%get3A_10, %get3A_11] : memref<10240x128xf32, #tpu.memory_space<vmem>>, vector<10240x128xf32>
    %add3A_13 = arith.addf %get3A_9, %get3A_12 : vector<10240x128xf32>
    %div3A = vector.broadcast %max3A_6 : vector<10240x1xf32> to vector<10240x128xf32>
    %div3A_14 = arith.divf %add3A_13, %div3A : vector<10240x128xf32>
    %get3A_15 = arith.constant 0 : index
    %get3A_16 = arith.constant 0 : index
    %get3A_17 = vector.load %arg5[%get3A_15, %get3A_16] : memref<128x128xf32, #tpu.memory_space<vmem>>, vector<128x128xf32>
    %dot_general3A = arith.constant dense<0.000000e+00> : vector<10240x128xf32>
    %dot_general3A_18 = tpu.matmul %div3A_14, %get3A_17, %dot_general3A {dimension_numbers = #tpu.dot_dimension_numbers<[1], [0], [0], [1], [0, 0, 1, 1], [], []>, transpose_lhs_hint = false} : vector<10240x128xf32>, vector<128x128xf32>, vector<10240x128xf32> -> vector<10240x128xf32>
    %get3A_19 = arith.constant 0 : index
    %get3A_20 = arith.constant 0 : index
    %get3A_21 = vector.load %arg6[%get3A_19, %get3A_20] : memref<1x128xf32, #tpu.memory_space<vmem>>, vector<1x128xf32>
    %add3A_22 = vector.broadcast %get3A_21 : vector<1x128xf32> to vector<10240x128xf32>
    %add3A_23 = arith.addf %dot_general3A_18, %add3A_22 : vector<10240x128xf32>
    %get3A_24 = arith.constant 0 : index
    %get3A_25 = arith.constant 0 : index
    %get3A_26 = vector.load %arg4[%get3A_24, %get3A_25] : memref<10240x128xf32, #tpu.memory_space<vmem>>, vector<10240x128xf32>
    %get3A_27 = arith.constant 0 : index
    %get3A_28 = arith.constant 0 : index
    %get3A_29 = vector.load %arg7[%get3A_27, %get3A_28] : memref<128x128xf32, #tpu.memory_space<vmem>>, vector<128x128xf32>
    %dot_general3A_30 = arith.constant dense<0.000000e+00> : vector<10240x128xf32>
    %dot_general3A_31 = tpu.matmul %get3A_26, %get3A_29, %dot_general3A_30 {dimension_numbers = #tpu.dot_dimension_numbers<[1], [0], [0], [1], [0, 0, 1, 1], [], []>, transpose_lhs_hint = false} : vector<10240x128xf32>, vector<128x128xf32>, vector<10240x128xf32> -> vector<10240x128xf32>
    %add3A_32 = arith.addf %add3A_23, %dot_general3A_31 : vector<10240x128xf32>
    %max3A_33 = arith.constant 0.000000e+00 : f32
    %max3A_34 = vector.broadcast %max3A_33 : f32 to vector<10240x128xf32>
    %max3A_35 = arith.maximumf %add3A_32, %max3A_34 : vector<10240x128xf32>
    %get3A_36 = arith.constant 0 : index
    %get3A_37 = arith.constant 0 : index
    %get3A_38 = vector.load %arg8[%get3A_36, %get3A_37] : memref<80x128xi32, #tpu.memory_space<vmem>>, vector<80x128xi32>
    %iota3A = tpu.iota {dimensions = array<i32: 0>} : vector<128x80x128xi32>
    %broadcast_in_dim3A = vector.shape_cast %get3A_38 : vector<80x128xi32> to vector<1x80x128xi32>
    %lt3A = vector.broadcast %broadcast_in_dim3A : vector<1x80x128xi32> to vector<128x80x128xi32>
    %lt3A_39 = arith.cmpi slt, %lt3A, %iota3A : vector<128x80x128xi32>
    %convert_element_type3A = arith.extui %lt3A_39 : vector<128x80x128xi1> to vector<128x80x128xi32>
    %reduce_sum3A = arith.constant dense<0> : vector<128x80xi32>
    %reduce_sum3A_40 = vector.multi_reduction <add>, %convert_element_type3A, %reduce_sum3A [2] : vector<128x80x128xi32> to vector<128x80xi32>
    %reduce_sum3A_41 = arith.constant dense<0> : vector<128xi32>
    %reduce_sum3A_42 = vector.multi_reduction <add>, %reduce_sum3A_40, %reduce_sum3A_41 [1] : vector<128x80xi32> to vector<128xi32>
    %broadcast_in_dim3A_43 = vector.shape_cast %reduce_sum3A_42 : vector<128xi32> to vector<128x1xi32>
    %get3A_44 = arith.constant 0 : index
    %get3A_45 = arith.constant 0 : index
    %get3A_46 = vector.load %arg9[%get3A_44, %get3A_45] : memref<128x8xi32, #tpu.memory_space<vmem>>, vector<128x1xi32>
    %add3A_47 = arith.addi %broadcast_in_dim3A_43, %get3A_46 : vector<128x1xi32>
    %jit3A = arith.constant 0 : i32
    %jit3A_48 = arith.constant 9999 : i32
    %max3A_49 = vector.broadcast %jit3A : i32 to vector<128x1xi32>
    %max3A_50 = arith.maxsi %max3A_49, %add3A_47 : vector<128x1xi32>
    %min3A = vector.broadcast %jit3A_48 : i32 to vector<128x1xi32>
    %min3A_51 = arith.minsi %min3A, %max3A_50 : vector<128x1xi32>
    %get3A_52 = arith.constant 0 : index
    %get3A_53 = arith.constant 1 : index
    %get3A_54 = vector.load %arg9[%get3A_52, %get3A_53] : memref<128x8xi32, #tpu.memory_space<vmem>>, vector<128x1xi32>
    %add3A_55 = arith.addi %broadcast_in_dim3A_43, %get3A_54 : vector<128x1xi32>
    %jit3A_56 = arith.constant 0 : i32
    %jit3A_57 = arith.constant 9999 : i32
    %max3A_58 = vector.broadcast %jit3A_56 : i32 to vector<128x1xi32>
    %max3A_59 = arith.maxsi %max3A_58, %add3A_55 : vector<128x1xi32>
    %min3A_60 = vector.broadcast %jit3A_57 : i32 to vector<128x1xi32>
    %min3A_61 = arith.minsi %min3A_60, %max3A_59 : vector<128x1xi32>
    %iota3A_62 = tpu.iota {dimensions = array<i32: 1>} : vector<128x10240xi32>
    %eq3A = vector.broadcast %min3A_51 : vector<128x1xi32> to vector<128x10240xi32>
    %eq3A_63 = arith.cmpi eq, %iota3A_62, %eq3A : vector<128x10240xi32>
    %convert_element_type3A_64 = arith.extui %eq3A_63 : vector<128x10240xi1> to vector<128x10240xi32>
    %convert_element_type3A_65 = arith.sitofp %convert_element_type3A_64 : vector<128x10240xi32> to vector<128x10240xf32>
    %dot_general3A_66 = arith.constant dense<0.000000e+00> : vector<128x128xf32>
    %dot_general3A_67 = tpu.matmul %convert_element_type3A_65, %max3A_35, %dot_general3A_66 {dimension_numbers = #tpu.dot_dimension_numbers<[1], [0], [0], [1], [0, 0, 1, 1], [], []>, transpose_lhs_hint = false} : vector<128x10240xf32>, vector<10240x128xf32>, vector<128x128xf32> -> vector<128x128xf32>
    %eq3A_68 = vector.broadcast %min3A_61 : vector<128x1xi32> to vector<128x10240xi32>
    %eq3A_69 = arith.cmpi eq, %iota3A_62, %eq3A_68 : vector<128x10240xi32>
    %convert_element_type3A_70 = arith.extui %eq3A_69 : vector<128x10240xi1> to vector<128x10240xi32>
    %convert_element_type3A_71 = arith.sitofp %convert_element_type3A_70 : vector<128x10240xi32> to vector<128x10240xf32>
    %dot_general3A_72 = arith.constant dense<0.000000e+00> : vector<128x128xf32>
    %dot_general3A_73 = tpu.matmul %convert_element_type3A_71, %max3A_35, %dot_general3A_72 {dimension_numbers = #tpu.dot_dimension_numbers<[1], [0], [0], [1], [0, 0, 1, 1], [], []>, transpose_lhs_hint = false} : vector<128x10240xf32>, vector<10240x128xf32>, vector<128x128xf32> -> vector<128x128xf32>
    %sub3A = arith.subf %dot_general3A_67, %dot_general3A_73 : vector<128x128xf32>
    %abs3A = math.absf %sub3A : vector<128x128xf32>
    %add3A_74 = arith.addf %dot_general3A_67, %dot_general3A_73 : vector<128x128xf32>
    %mul3A = arith.constant 5.000000e-01 : f32
    %mul3A_75 = vector.broadcast %mul3A : f32 to vector<128x128xf32>
    %mul3A_76 = arith.mulf %add3A_74, %mul3A_75 : vector<128x128xf32>
    %max3A_77 = arith.maximumf %dot_general3A_67, %dot_general3A_73 : vector<128x128xf32>
    %get3A_78 = arith.constant 0 : index
    %get3A_79 = arith.constant 0 : index
    %get3A_80 = vector.load %arg10[%get3A_78, %get3A_79] : memref<128x128xf32, #tpu.memory_space<vmem>>, vector<128x128xf32>
    %dot_general3A_81 = arith.constant dense<0.000000e+00> : vector<128x128xf32>
    %dot_general3A_82 = tpu.matmul %abs3A, %get3A_80, %dot_general3A_81 {dimension_numbers = #tpu.dot_dimension_numbers<[1], [0], [0], [1], [0, 0, 1, 1], [], []>, transpose_lhs_hint = false} : vector<128x128xf32>, vector<128x128xf32>, vector<128x128xf32> -> vector<128x128xf32>
    %get3A_83 = arith.constant 0 : index
    %get3A_84 = arith.constant 0 : index
    %get3A_85 = vector.load %arg11[%get3A_83, %get3A_84] : memref<128x128xf32, #tpu.memory_space<vmem>>, vector<128x128xf32>
    %dot_general3A_86 = arith.constant dense<0.000000e+00> : vector<128x128xf32>
    %dot_general3A_87 = tpu.matmul %mul3A_76, %get3A_85, %dot_general3A_86 {dimension_numbers = #tpu.dot_dimension_numbers<[1], [0], [0], [1], [0, 0, 1, 1], [], []>, transpose_lhs_hint = false} : vector<128x128xf32>, vector<128x128xf32>, vector<128x128xf32> -> vector<128x128xf32>
    %add3A_88 = arith.addf %dot_general3A_82, %dot_general3A_87 : vector<128x128xf32>
    %get3A_89 = arith.constant 0 : index
    %get3A_90 = arith.constant 0 : index
    %get3A_91 = vector.load %arg12[%get3A_89, %get3A_90] : memref<128x128xf32, #tpu.memory_space<vmem>>, vector<128x128xf32>
    %dot_general3A_92 = arith.constant dense<0.000000e+00> : vector<128x128xf32>
    %dot_general3A_93 = tpu.matmul %max3A_77, %get3A_91, %dot_general3A_92 {dimension_numbers = #tpu.dot_dimension_numbers<[1], [0], [0], [1], [0, 0, 1, 1], [], []>, transpose_lhs_hint = false} : vector<128x128xf32>, vector<128x128xf32>, vector<128x128xf32> -> vector<128x128xf32>
    %add3A_94 = arith.addf %add3A_88, %dot_general3A_93 : vector<128x128xf32>
    %get3A_95 = arith.constant 0 : index
    %get3A_96 = arith.constant 0 : index
    %get3A_97 = vector.load %arg13[%get3A_95, %get3A_96] : memref<1x128xf32, #tpu.memory_space<vmem>>, vector<1x128xf32>
    %add3A_98 = vector.broadcast %get3A_97 : vector<1x128xf32> to vector<128x128xf32>
    %add3A_99 = arith.addf %add3A_94, %add3A_98 : vector<128x128xf32>
    %get3A_100 = arith.constant 0 : index
    %get3A_101 = arith.constant 0 : index
    %get3A_102 = vector.load %arg14[%get3A_100, %get3A_101] : memref<128x128xf32, #tpu.memory_space<vmem>>, vector<128x128xf32>
    %dot_general3A_103 = arith.constant dense<0.000000e+00> : vector<128x128xf32>
    %dot_general3A_104 = tpu.matmul %add3A_99, %get3A_102, %dot_general3A_103 {dimension_numbers = #tpu.dot_dimension_numbers<[1], [0], [0], [1], [0, 0, 1, 1], [], []>, transpose_lhs_hint = false} : vector<128x128xf32>, vector<128x128xf32>, vector<128x128xf32> -> vector<128x128xf32>
    %get3A_105 = arith.constant 0 : index
    %get3A_106 = arith.constant 0 : index
    %get3A_107 = vector.load %arg15[%get3A_105, %get3A_106] : memref<1x128xf32, #tpu.memory_space<vmem>>, vector<1x128xf32>
    %add3A_108 = vector.broadcast %get3A_107 : vector<1x128xf32> to vector<128x128xf32>
    %add3A_109 = arith.addf %dot_general3A_104, %add3A_108 : vector<128x128xf32>
    %max3A_110 = arith.constant 0.000000e+00 : f32
    %max3A_111 = vector.broadcast %max3A_110 : f32 to vector<128x128xf32>
    %max3A_112 = arith.maximumf %add3A_109, %max3A_111 : vector<128x128xf32>
    %get3A_113 = arith.constant 0 : index
    %get3A_114 = arith.constant 0 : index
    %get3A_115 = vector.load %arg16[%get3A_113, %get3A_114] : memref<128x128xf32, #tpu.memory_space<vmem>>, vector<128x128xf32>
    %dot_general3A_116 = arith.constant dense<0.000000e+00> : vector<128x128xf32>
    %dot_general3A_117 = tpu.matmul %max3A_112, %get3A_115, %dot_general3A_116 {dimension_numbers = #tpu.dot_dimension_numbers<[1], [0], [0], [1], [0, 0, 1, 1], [], []>, transpose_lhs_hint = false} : vector<128x128xf32>, vector<128x128xf32>, vector<128x128xf32> -> vector<128x128xf32>
    %get3A_118 = arith.constant 0 : index
    %get3A_119 = arith.constant 0 : index
    %get3A_120 = vector.load %arg17[%get3A_118, %get3A_119] : memref<1x128xf32, #tpu.memory_space<vmem>>, vector<1x128xf32>
    %add3A_121 = vector.broadcast %get3A_120 : vector<1x128xf32> to vector<128x128xf32>
    %add3A_122 = arith.addf %dot_general3A_117, %add3A_121 : vector<128x128xf32>
    %reduce_max3A = arith.constant dense<0xFF800000> : vector<128xf32>
    %reduce_max3A_123 = vector.multi_reduction <maximumf>, %add3A_122, %reduce_max3A [1] : vector<128x128xf32> to vector<128xf32>
    %broadcast_in_dim3A_124 = vector.shape_cast %reduce_max3A_123 : vector<128xf32> to vector<128x1xf32>
    %sub3A_125 = vector.broadcast %broadcast_in_dim3A_124 : vector<128x1xf32> to vector<128x128xf32>
    %sub3A_126 = arith.subf %add3A_122, %sub3A_125 : vector<128x128xf32>
    %exp3A = math.exp %sub3A_126 : vector<128x128xf32>
    %reduce_sum3A_127 = arith.constant dense<0.000000e+00> : vector<128xf32>
    %reduce_sum3A_128 = vector.multi_reduction <add>, %exp3A, %reduce_sum3A_127 [1] : vector<128x128xf32> to vector<128xf32>
    %broadcast_in_dim3A_129 = vector.shape_cast %reduce_sum3A_128 : vector<128xf32> to vector<128x1xf32>
    %log3A = math.log %broadcast_in_dim3A_129 : vector<128x1xf32>
    %sub3A_130 = vector.broadcast %broadcast_in_dim3A_124 : vector<128x1xf32> to vector<128x128xf32>
    %sub3A_131 = arith.subf %add3A_122, %sub3A_130 : vector<128x128xf32>
    %sub3A_132 = vector.broadcast %log3A : vector<128x1xf32> to vector<128x128xf32>
    %sub3A_133 = arith.subf %sub3A_131, %sub3A_132 : vector<128x128xf32>
    %swap3A = arith.constant 0 : index
    %swap3A_134 = arith.constant 0 : index
    %swap3A_135 = vector.load %arg18[%swap3A, %swap3A_134] : memref<128x128xf32, #tpu.memory_space<vmem>>, vector<128x128xf32>
    tpu.vector_store %arg18[%swap3A, %swap3A_134], %sub3A_133 {strides = array<i32>} : memref<128x128xf32, #tpu.memory_space<vmem>>, vector<128x128xf32>,
    return
  }
}

</mosaic_0001>

<sc_bundles>
// kernel: sage_segsum_sc.3.cloned.1.call-start
scs
__scs_entry_jumppad:
0x0: {  	(pc) =	sbr.rel $0x88, $3  }
0x1: {  	(tag) =	ssettag $0x0;
	lr =	simm.s32 $0x1  }
0x2: {  	[smem:$0x3F91] =	sst lr;
	_ =	strace $0xD0000000  }
0x3: {  	_ = 	snop  }
0x4: {  	_ = 	snop  }
0x5: {  	_ = 	snop  }
0x6: {  	_ = 	snop  }
0x7: {  	_ = 	snop  }
__scs_overlays_trampoline_lowered:
0x8: {  	[smem:$0x3FA0] =	sst s0  }
0x9: {  	[smem:$0x3FA1] =	sst s1  }
0xa: {  	[smem:$0x3FA2] =	sst s2  }
0xb: {  	[smem:$0x3FA3] =	sst s3  }
0xc: {  	[smem:$0x3FA4] =	sst s4  }
0xd: {  	[smem:$0x3FA5] =	sst s5  }
0xe: {  	[smem:$0x3FA6] =	sst s6  }
0xf: {  	[smem:$0x3FA7] =	sst s7  }
0x10: {  	[smem:$0x3FA8] =	sst s8  }
0x11: {  	[smem:$0x3FA9] =	sst s9;
	s0 =	simm.s32 @!p0 $0x0  }
0x12: {  	s1 =	sld [smem:$0x3F8F];
	s0 =	simm.s32 @p0 $0x1  }
0x13: {  	[smem:$0x3FAA] =	sst s0;
	s0 =	simm.s32 @!p1 $0x0  }
0x14: {  	s2 =	sld [smem:$0x3F8E];
	s0 =	simm.s32 @p1 $0x1  }
0x15: {  	[smem:$0x3FAB] =	sst s0;
	s0 =	simm.s32 @!p2 $0x0  }
0x16: {  	s3 =	sld [smem:$0x3FDB];
	s0 =	simm.s32 @p2 $0x1  }
0x17: {  	s4 =	simm.s32 $0x1BF5;
	[smem:$0x3FAD] =	sst s0  }
0x18: {  	s0 =	sld [smem:$0x3F90];
	_ =	swait.ge [sflag:s4], $0x0  }
0x19: {  	s7 =	sld [smem:$0x3F91]  }
0x1a: {  	s8 =	sadd.s32 $0xFFFFE003, lr  }
0x1b: {  	s9 =	sadd.s32 $0xFFFFFEF7, lr;
	s5 =	simm.s32 $0xFFFFFFFF;
	p2 =	slt.u32 s8, $0xFFFFF086  }
0x1c: {  	p1 =	slt.u32 s9, $0xF7A;
	s5 =	simm.s32 @!p2 $0x0  }
0x1d: {  	s5 =	simm.s32 @p1 $0x1;
	p0 =	seq.s32 s7, s2  }
0x1e: {  	s7 =	smul.u32 @!p0 $0xF7A, s2;
	p2 =	seq.s32 @!p0 s5, $0x0  }
0x1f: {  	s9 =	smul.u32 $0xF7A, s1;
	s8 =	simm.s32 @!p0 $0x1BF5;
	p2 =	por !p2, p0  }
0x20: {  	[sflag:s8] =	ssyncset.s32 @!p0 $0xFFFFF086;
	s6 =	sadd.s32 @!p0 s3, s7;
	s7 =	simm.s32 @!p0 $0x108  }
0x21: {  	s3 =	sadd.s32 s3, s9;
	s6 =	sadd.s32 @!p0 $0x88, s6;
	s7 =	simm.s32 @p2 $0x1082  }
0x22: {  	[simem:s7], [sflag:s8] =	dma.local @!p0 [hbm:s6], $0xF7A  }
0x23: {  	s9 =	sor.u32 $0xD0000000, s2;
	s6 =	simm.s32 $0x108;
	_ =	swait.ge @!p0 [sflag:s8], $0x0  }
0x24: {  	s3 =	sadd.s32 $0x88, s3;
	s6 =	simm.s32 @!p1 $0x1082;
	[sflag:s4] =	ssyncset.s32 $0xFFFFF086  }
0x25: {  	[simem:s6], [sflag:s4] =	dma.local [hbm:s3], $0xF7A  }
0x26: {  	[smem:$0x3F91] =	sst s1;
	(tag) =	ssettag s2;
	_ =	strace s9  }
0x27: {  	s1 =	sld [smem:$0x3FA1]  }
0x28: {  	s2 =	sld [smem:$0x3FA2]  }
0x29: {  	s4 =	sld [smem:$0x3FA4]  }
0x2a: {  	p0 =	seq.s32 s5, $0x0;
	s5 =	sld [smem:$0x3FA5]  }
0x2b: {  	s6 =	sld [smem:$0x3FA6]  }
0x2c: {  	s7 =	sld [smem:$0x3FA7]  }
0x2d: {  	s3 =	simm.s32 $0x108;
	s8 =	sld [smem:$0x3FA8]  }
0x2e: {  	s3 =	simm.s32 @!p0 $0x1082;
	s9 =	sld [smem:$0x3FA9]  }
0x2f: {  	lr =	sadd.s32 s0, s3;
	s0 =	sld [smem:$0x3FA0]  }
0x30: {  	s3 =	sld [smem:$0x3FA3]  }
0x31: {  	[smem:$0x3FAC] =	sst s10  }
0x32: {  	s10 =	sld [smem:$0x3FAA];
	_ =	sdelay $0x3  }
0x33: {  	p0 =	seq.s32 s10, $0x1;
	s10 =	sld [smem:$0x3FAC];
	_ =	sdelay $0x3  }
0x34: {  	[smem:$0x3FAC] =	sst s10  }
0x35: {  	s10 =	sld [smem:$0x3FAB];
	_ =	sdelay $0x3  }
0x36: {  	p1 =	seq.s32 s10, $0x1;
	s10 =	sld [smem:$0x3FAC];
	_ =	sdelay $0x3  }
0x37: {  	[smem:$0x3FAC] =	sst s10  }
0x38: {  	s10 =	sld [smem:$0x3FAD]  }
0x39: {  	_ = 	snop;
	(pc) =	sbr.ind lr, $3  }
0x3a: {  	_ = 	snop  }
0x3b: {  	_ = 	snop  }
0x3c: {  	p2 =	seq.s32 s10, $0x1;
	s10 =	sld [smem:$0x3FAC]  }
0x3d: {  	_ =	shalt  }
0x3e: {  	_ =	shalt  }
0x3f: {  	_ =	shalt  }
0x40: {  	_ =	shalt  }
0x41: {  	_ =	shalt  }
0x42: {  	_ =	shalt  }
0x43: {  	_ =	shalt  }
0x44: {  	_ =	shalt  }
0x45: {  	_ =	shalt  }
0x46: {  	_ =	shalt  }
0x47: {  	_ =	shalt  }
0x48: {  	_ =	shalt  }
0x49: {  	_ =	shalt  }
0x4a: {  	_ =	shalt  }
0x4b: {  	_ =	shalt  }
0x4c: {  	_ =	shalt  }
0x4d: {  	_ =	shalt  }
0x4e: {  	_ =	shalt  }
0x4f: {  	_ =	shalt  }
0x50: {  	_ =	shalt  }
0x51: {  	_ =	shalt  }
0x52: {  	_ =	shalt  }
0x53: {  	_ =	shalt  }
0x54: {  	_ =	shalt  }
0x55: {  	_ =	shalt  }
0x56: {  	_ =	shalt  }
0x57: {  	_ =	shalt  }
0x58: {  	_ =	shalt  }
0x59: {  	_ =	shalt  }
0x5a: {  	_ =	shalt  }
0x5b: {  	_ =	shalt  }
0x5c: {  	_ =	shalt  }
0x5d: {  	_ =	shalt  }
0x5e: {  	_ =	shalt  }
0x5f: {  	_ =	shalt  }
0x60: {  	_ =	shalt  }
0x61: {  	_ =	shalt  }
0x62: {  	_ =	shalt  }
0x63: {  	_ =	shalt  }
0x64: {  	_ =	shalt  }
0x65: {  	_ =	shalt  }
0x66: {  	_ =	shalt  }
0x67: {  	_ =	shalt  }
0x68: {  	_ =	shalt  }
0x69: {  	_ =	shalt  }
0x6a: {  	_ =	shalt  }
0x6b: {  	_ =	shalt  }
0x6c: {  	_ =	shalt  }
0x6d: {  	_ =	shalt  }
0x6e: {  	_ =	shalt  }
0x6f: {  	_ =	shalt  }
0x70: {  	_ =	shalt  }
0x71: {  	_ =	shalt  }
0x72: {  	_ =	shalt  }
0x73: {  	_ =	shalt  }
0x74: {  	_ =	shalt  }
0x75: {  	_ =	shalt  }
0x76: {  	_ =	shalt  }
0x77: {  	_ =	shalt  }
0x78: {  	_ =	shalt  }
0x79: {  	_ =	shalt  }
0x7a: {  	_ =	shalt  }
0x7b: {  	_ =	shalt  }
0x7c: {  	_ =	shalt  }
0x7d: {  	_ =	shalt  }
0x7e: {  	_ =	shalt  }
0x7f: {  	_ =	shalt  }
0x80: {  	_ =	shalt  }
0x81: {  	_ =	shalt  }
0x82: {  	_ =	shalt  }
0x83: {  	_ =	shalt  }
0x84: {  	_ =	shalt  }
0x85: {  	_ =	shalt  }
0x86: {  	_ =	shalt  }
0x87: {  	_ =	shalt  }
.Lfunc_end0:
.L_simem_size_0:
called_computation.1_lowered:
.L_overlay_start_0:
0x88: {  	s2 =	sld [smem:$0x3FD9]  }
0x89: {  	s3 =	sld [smem:$0x3FFE];
	_ =	sdelay $0x1  }
0x8a: {  	s1 =	srdreg.scid  }
0x8b: {  	s0 =	sand.u32 $0x1, s1  }
0x8c: {  	s16 =	sshll.u32 s0, $0xA;
	s2 =	sadd.s32 s3, s2  }
0x8d: {  	s2 =	sadd.s32 s2, s16  }
0x8e: {  	[smem:$0x3FB8] =	sst s2  }
0x8f: {  	_ = 	snop  }
0x90: {  	(tm) =	ssettm $0x1  }
0x91: {  	s17 =	sld [smem:$0x3FFB];
	_ =	sdelay $0x3  }
0x92: {  	_ =	strace s17  }
0x93: {  	s2 =	sld [smem:$0x3FFC];
	_ =	sdelay $0x3  }
0x94: {  	_ =	strace s2  }
0x95: {  	s2 =	sld [smem:$0x3FFD];
	_ =	sdelay $0x3  }
0x96: {  	_ =	strace s2  }
0x97: {  	_ =	strace $0x8FFFFFFF  }
0x98: {  	s18 =	sld [smem:$0x3FDB];
	_ =	sdelay $0x1  }
0x99: {  	s19 =	simm.s32 $_scs_section_size  }
0x9a: {  	s4 =	simm.s32 $_size__tile_overlayer_lowered;
	s5 =	simm.s32 $_tile_overlayer_lowered  }
0x9b: {  	s22 =	simm.s32 $0x1BFF;
	s21 =	sshll.u32 s5, $0x1;
	s2 =	sadd.s32 s19, s18  }
0x9c: {  	s6 =	simm.s32 $0x0;
	s20 =	sshll.u32 s4, $0x1;
	s4 =	sadd.s32 s21, s2  }
0x9d: {  	[timem:s6], [sflag:s22] =	dma.local [hbm:s4], s20  }
0x9e: {  	_ =	swait.ge [sflag:s22], s20  }
0x9f: {  	s3 =	ssub.s32 $0x0, s20;
	[sflag:s22] =	ssyncset.done $0x0  }
0xa0: {  	[sflag:s22] =	ssyncadd.s32 s3;
	_ =	sdelay $0x1  }
0xa1: {  	s23 =	simm.s32 $0x1B8B  }
0xa2: {  	_ =	swait.ge [sflag:s23], $0x1  }
0xa3: {  	[sflag:s23] =	ssyncset.done $0x0  }
0xa4: {  	s25 =	simm.s32 $0x1B8E;
	s24 =	sld [smem:$0x3FFE];
	[sflag:s23] =	ssyncadd.s32 $0xFFFFFFFF  }
0xa5: {  	s26 =	simm.s32 $execute0_lowered;
	[smem:$0x3FD2] =	sst s25  }
0xa6: {  	s4 =	sshll.u32 s26, $0x1;
	_ =	strace $0x80000049;
	[dreg:$0x1] =	wrdreg $0xFFFFFFFF  }
0xa7: {  	s28 =	simm.s32 $_size_execute0_lowered;
	s2 =	sadd.s32 s2, s4;
	[dreg:$0x0] =	wrdreg $0x0  }
0xa8: {  	s4 =	sshll.u32 s28, $0x1;
	[dreg:$0x2] =	wrdreg s2  }
0xa9: {  	[dreg:$0x3] =	wrdreg s4  }
0xaa: {  	[dreg:$0x4] =	wrdreg $0xC0  }
0xab: {  	_ =	task [dreg:s6], $0x5FFFF  }
0xac: {  	[dreg:$0x1] =	wrdreg $0xFFFFFFFF  }
0xad: {  	[dreg:$0x0] =	wrdreg $0x60  }
0xae: {  	[dreg:$0x2] =	wrdreg s24  }
0xaf: {  	[dreg:$0x3] =	wrdreg $0xA8000  }
0xb0: {  	[dreg:$0x4] =	wrdreg $0x9  }
0xb1: {  	_ =	task.clear_ibuf [dreg:s6], $0x5FFFF;
	_ =	strace $0x90000049  }
0xb2: {  	s29 =	simm.s32 $0x9;
	_ =	strace $0x8000004B  }
0xb3: {  	_ =	swait.ge [sflag:s29], $0x1  }
0xb4: {  	[sflag:s29] =	ssyncadd.s32 $0xFFFFFFFF  }
0xb5: {  	_ =	strace $0x9000004B  }
0xb6: {  	_ =	sfence  }
0xb7: {  	s30 =	sld [smem:$0x0];
	_ =	sdelay $0x2  }
0xb8: {  	s31 =	sshll.u32 s1, $0xD;
	s1 =	sshrl.u32 s1, $0x2  }
0xb9: {  	s3 =	sand.u32 $0x4000, s31;
	s1 =	sadd.s32 s1, s30  }
0xba: {  	s0 =	sor.u32 s3, s0;
	s1 =	sshll.u32 s1, $0x11  }
0xbb: {  	s0 =	sor.u32 s1, s0  }
0xbc: {  	s0 =	sadd.s32 $0x8F2B, s0  }
0xbd: {  	[sflag:s0] =	ssyncadd.remote.s32 $0x1  }
0xbe: {  	_ =	sfence.sel $0xFFFF  }
0xbf: {  	[dreg:$0x0] =	wrdreg $0xFFFFFFFF;
	(pc) =	sbr.abs _section_cstart, $3  }
0xc0: {  	[dreg:$0x1] =	wrdreg $0xFFFFFFFF  }
0xc1: {  	_ =	task.clear_ibuf [dreg:s6], $0x2FFFF;
	_ =	strace $0x9FFFFFFF  }
0xc2: {  	(tm) =	ssettm $0x7FFFFFFF  }
0xc3: {  	_ =	shalt  }
tec
execute0_lowered:
.L_overlay_start_1:
0x0: {  	(tag) =	ssettag $0x1  }
0x1: {  	s6 =	rddreg [dreg:$0x0]  }
0x2: {  	s1 =	rddreg [dreg:$0x1]  }
0x3: {  	s2 =	srdreg.scid;
	s0 =	rddreg [dreg:$0x2]  }
0x4: {  	s3 =	simm.s32 $0x0;
	s16 =	simm.s32 $0x80;
	s17 =	simm.s32 $0x2800  }
0x5: {  	s18 =	simm.s32 $0x1;
	s19 =	simm.s32 $0x6800;
	s20 =	simm.s32 $0x3  }
0x6: {  	s21 =	simm.s32 $0x1480;
	s22 =	simm.s32 $0x2;
	s23 =	simm.s32 $0x100  }
0x7: {  	s24 =	simm.s32 $0x4;
	s7 =	sand.u32 $0x1, s2;
	s2 =	stileid.u32  }
0x8: {  	[smem:$0x7FF] =	sst s3;
	s4 =	sadd.s32 $0x3800, s6;
	s5 =	smul.u32 $0x140000, s7  }
0x9: {  	s9 =	sadd.s32 $0x2B800, s6;
	s10 =	sadd.s32 $0x35800, s6;
	s8 =	smul.u32 $0x14000, s2  }
0xa: {  	_ =	strace $0x8000004A;
	s11 =	sshll.u32 s2, $0x1;
	s12 =	ssub.s32 $0x2, s7  }
0xb: {  	s25 =	smul.u32 $0x50000, s2;
	s31 =	sshll.u32 s2, $0x6;
	s7 =	sor.u32 s7, s11  }
0xc: {  	s26 =	sshrl.u32 s12, $0x1;
	s8 =	sadd.s32 s8, s5;
	s5 =	sadd.s32 $0x3F800, s6  }
0xd: {  	s28 =	smul.u32 $0x2800, s7;
	s12 =	ssub.s32 s12, s26;
	s29 =	sshrl.u32 s25, $0x2  }
0xe: {  	s30 =	smul.u32 $0x500, s7;
	s25 =	simm.s32 $0x0;
	s8 =	sshrl.u32 s8, $0x3  }
.Ltmp0:
0xf: {  	s14 =	sadd.s32 s29, s1;
	s12 =	smax.u32 s12, $0x1;
	(pc) =	sbr.rel .LBB2_1-.Ltmp0, $4  }
0x10: {  	s13 =	sadd.s32 s8, s6;
	s8 =	sshrl.u32 s28, $0x3;
	s6 =	sor.u32 $0x1C05, s31  }
0x11: {  	s7 =	sadd.s32 s9, s30;
	s15 =	sadd.s32 $0x280, s8;
	s8 =	sadd.s32 s10, s30  }
0x12: {  	s11 =	sadd.s32 $0x6A000, s13;
	s13 =	sshrl.u32 s14, $0x3;
	s14 =	simm.s32 $0x5  }
0x13: {  	s9 =	sadd.s32 s9, s15;
	s10 =	sadd.s32 s10, s15;
	s15 =	simm.s32 $0x1400  }
.LBB2_7:
0x14: {  	_ =	swait.ge [sflag:s24], $0x4000  }
0x15: {  	s25 =	sadd.s32 $0x1, s25;
	[sflag:s24] =	ssyncset.done $0x0  }
0x16: {  	p0 =	sne.s32 s25, s12;
	[sflag:s24] =	ssyncadd.s32 $0xFFFFC000  }
.Ltmp1:
0x17: {  	[bflag:$0x0] =	sbarrier.arrive $0xFFFF;
	(pc) =	sbr.rel @!p0 .LBB2_8-.Ltmp1, $4  }
0x18: {  	[hbm:s11], [sflag:s6] =	dma.local [spmem:s13], $0x2800  }
0x19: {  	_ =	swait.ge [sflag:s14], $0x2800  }
0x1a: {  	[sflag:s14] =	ssyncset.done $0x0  }
0x1b: {  	[sflag:s14] =	ssyncadd.s32 $0xFFFFD800  }
.LBB2_1:
0x1c: {  	[spmem:s13], [sflag:s6] =	dma.local [hbm:s5], $0x2800  }
0x1d: {  	_ =	swait.ge [sflag:s14], $0x2800  }
0x1e: {  	[sflag:s14] =	ssyncset.done $0x0  }
0x1f: {  	[sflag:s14] =	ssyncadd.s32 $0xFFFFD800  }
0x20: {  	[bflag:$0x0] =	sbarrier.arrive $0xFFFF  }
0x21: {  	[tilespmem:s3], [sflag:$0x5] =	stream.linear.gather [hbm4b:s7+s3], $0x1400, $0x38;
	[tilespmem:$0x1E800] =	vst v63  }
0x22: {  	_ =	swait.ge [sflag:s14], $0x1400  }
0x23: {  	[sflag:s14] =	ssyncset.done $0x0  }
0x24: {  	[sflag:s14] =	ssyncadd.s32 $0xFFFFEC00  }
0x25: {  	[tilespmem:s15], [sflag:$0x5] =	stream.linear.gather [hbm4b:s8+s3], $0x1400, $0x38;
	[tilespmem:$0x1E800] =	vst v63  }
0x26: {  	_ =	swait.ge [sflag:s14], $0x1400  }
0x27: {  	[sflag:s14] =	ssyncset.done $0x0  }
0x28: {  	[sflag:s14] =	ssyncadd.s32 $0xFFFFEC00  }
0x29: {  	[tilespmem:s17], [sflag:$0x1] =	stream.indirect.gather [hbm4b:s4+s16], $0x80, s3, s16, $0xb8;
	[tilespmem:$0x1E800] =	vst v63  }
0x2a: {  	_ =	swait.ge [sflag:s18], $0x4000  }
0x2b: {  	[sflag:s18] =	ssyncset.done $0x0  }
0x2c: {  	[sflag:s18] =	ssyncadd.s32 $0xFFFFC000  }
0x2d: {  	[spmem:s1] =	stream.indirect.scatter.add.f32 [tilespmem:s17], [sflag:$0x2], $0x80, s15, s16, $0xb8;
	[tilespmem:$0x1E800] =	vst v63  }
0x2e: {  	_ = 	snop  }
0x2f: {  	[tilespmem:s19], [sflag:$0x3] =	stream.indirect.gather [hbm4b:s4+s16], $0x80, s16, s16, $0xb8;
	[tilespmem:$0x1E800] =	vst v63  }
0x30: {  	_ =	swait.ge [sflag:s20], $0x4000  }
0x31: {  	[sflag:s20] =	ssyncset.done $0x0  }
0x32: {  	[sflag:s20] =	ssyncadd.s32 $0xFFFFC000  }
0x33: {  	[spmem:s1] =	stream.indirect.scatter.add.f32 [tilespmem:s19], [sflag:$0x4], $0x80, s21, s16, $0xb8;
	[tilespmem:$0x1E800] =	vst v63  }
0x34: {  	_ =	swait.ge [sflag:s22], $0x4000  }
0x35: {  	[sflag:s22] =	ssyncset.done $0x0  }
0x36: {  	s26 =	simm.s32 $0xFFFFB800;
	[sflag:s22] =	ssyncadd.s32 $0xFFFFC000  }
0x37: {  	[tilespmem:s17], [sflag:$0x1] =	stream.indirect.gather [hbm4b:s4+s16], $0x80, s23, s16, $0xb8;
	[tilespmem:$0x1E800] =	vst v63  }
.LBB2_2:
0x38: {  	_ =	swait.ge [sflag:s18], $0x4000  }
0x39: {  	s28 =	sshra.s32 s26, $0x2;
	[sflag:s18] =	ssyncset.done $0x0  }
0x3a: {  	s29 =	sadd.s32 $0x2700, s28;
	[sflag:s18] =	ssyncadd.s32 $0xFFFFC000  }
0x3b: {  	[spmem:s1] =	stream.indirect.scatter.add.f32 [tilespmem:s17], [sflag:$0x2], $0x80, s29, s16, $0xb8;
	[tilespmem:$0x1E800] =	vst v63  }
0x3c: {  	_ =	swait.ge [sflag:s24], $0x4000  }
0x3d: {  	[sflag:s24] =	ssyncset.done $0x0  }
0x3e: {  	s30 =	sadd.s32 $0x1380, s28;
	[sflag:s24] =	ssyncadd.s32 $0xFFFFC000  }
0x3f: {  	[tilespmem:s19], [sflag:$0x3] =	stream.indirect.gather [hbm4b:s4+s16], $0x80, s30, s16, $0xb8;
	[tilespmem:$0x1E800] =	vst v63  }
0x40: {  	_ =	swait.ge [sflag:s20], $0x4000  }
0x41: {  	p0 =	seq.s32 s26, $0x0;
	[sflag:s20] =	ssyncset.done $0x0  }
.Ltmp2:
0x42: {  	s31 =	sadd.s32 $0x2780, s28;
	[sflag:s20] =	ssyncadd.s32 $0xFFFFC000;
	(pc) =	sbr.rel @p0 .LBB2_4-.Ltmp2, $4  }
0x43: {  	[spmem:s1] =	stream.indirect.scatter.add.f32 [tilespmem:s19], [sflag:$0x4], $0x80, s31, s16, $0xb8;
	[tilespmem:$0x1E800] =	vst v63  }
0x44: {  	_ =	swait.ge [sflag:s22], $0x4000  }
0x45: {  	[sflag:s22] =	ssyncset.done $0x0  }
0x46: {  	[sflag:s22] =	ssyncadd.s32 $0xFFFFC000  }
.Ltmp3:
0x47: {  	(pc) =	sbr.rel .LBB2_2-.Ltmp3, $3  }
0x48: {  	_ =	sdelay $0x1  }
0x49: {  	s28 =	sadd.s32 $0x1400, s28;
	s26 =	sadd.s32 $0x400, s26  }
0x4a: {  	[tilespmem:s17], [sflag:$0x1] =	stream.indirect.gather [hbm4b:s4+s16], $0x80, s28, s16, $0xb8;
	[tilespmem:$0x1E800] =	vst v63  }
.LBB2_4:
0x4b: {  	_ =	swait.ge [sflag:s24], $0x4000  }
0x4c: {  	[sflag:s24] =	ssyncset.done $0x0  }
0x4d: {  	[sflag:s24] =	ssyncadd.s32 $0xFFFFC000  }
0x4e: {  	[tilespmem:s3], [sflag:$0x5] =	stream.linear.gather [hbm4b:s9+s3], $0x1400, $0x38;
	[tilespmem:$0x1E800] =	vst v63  }
0x4f: {  	_ =	swait.ge [sflag:s14], $0x1400  }
0x50: {  	[sflag:s14] =	ssyncset.done $0x0  }
0x51: {  	[sflag:s14] =	ssyncadd.s32 $0xFFFFEC00  }
0x52: {  	[tilespmem:s15], [sflag:$0x5] =	stream.linear.gather [hbm4b:s10+s3], $0x1400, $0x38;
	[tilespmem:$0x1E800] =	vst v63  }
0x53: {  	_ =	swait.ge [sflag:s14], $0x1400  }
0x54: {  	[sflag:s14] =	ssyncset.done $0x0  }
0x55: {  	[sflag:s14] =	ssyncadd.s32 $0xFFFFEC00  }
0x56: {  	[tilespmem:s17], [sflag:$0x1] =	stream.indirect.gather [hbm4b:s4+s16], $0x80, s3, s16, $0xb8;
	[tilespmem:$0x1E800] =	vst v63  }
0x57: {  	_ =	swait.ge [sflag:s18], $0x4000  }
0x58: {  	[sflag:s18] =	ssyncset.done $0x0  }
0x59: {  	[sflag:s18] =	ssyncadd.s32 $0xFFFFC000  }
0x5a: {  	[spmem:s1] =	stream.indirect.scatter.add.f32 [tilespmem:s17], [sflag:$0x2], $0x80, s15, s16, $0xb8;
	[tilespmem:$0x1E800] =	vst v63  }
0x5b: {  	_ = 	snop  }
0x5c: {  	[tilespmem:s19], [sflag:$0x3] =	stream.indirect.gather [hbm4b:s4+s16], $0x80, s16, s16, $0xb8;
	[tilespmem:$0x1E800] =	vst v63  }
0x5d: {  	_ =	swait.ge [sflag:s20], $0x4000  }
0x5e: {  	[sflag:s20] =	ssyncset.done $0x0  }
0x5f: {  	[sflag:s20] =	ssyncadd.s32 $0xFFFFC000  }
0x60: {  	[spmem:s1] =	stream.indirect.scatter.add.f32 [tilespmem:s19], [sflag:$0x4], $0x80, s21, s16, $0xb8;
	[tilespmem:$0x1E800] =	vst v63  }
0x61: {  	_ =	swait.ge [sflag:s22], $0x4000  }
0x62: {  	[sflag:s22] =	ssyncset.done $0x0  }
0x63: {  	s26 =	simm.s32 $0xFFFFB800;
	[sflag:s22] =	ssyncadd.s32 $0xFFFFC000  }
0x64: {  	[tilespmem:s17], [sflag:$0x1] =	stream.indirect.gather [hbm4b:s4+s16], $0x80, s23, s16, $0xb8;
	[tilespmem:$0x1E800] =	vst v63  }
.LBB2_5:
0x65: {  	_ =	swait.ge [sflag:s18], $0x4000  }
0x66: {  	s28 =	sshra.s32 s26, $0x2;
	[sflag:s18] =	ssyncset.done $0x0  }
0x67: {  	s29 =	sadd.s32 $0x2700, s28;
	[sflag:s18] =	ssyncadd.s32 $0xFFFFC000  }
0x68: {  	[spmem:s1] =	stream.indirect.scatter.add.f32 [tilespmem:s17], [sflag:$0x2], $0x80, s29, s16, $0xb8;
	[tilespmem:$0x1E800] =	vst v63  }
0x69: {  	_ =	swait.ge [sflag:s24], $0x4000  }
0x6a: {  	[sflag:s24] =	ssyncset.done $0x0  }
0x6b: {  	s30 =	sadd.s32 $0x1380, s28;
	[sflag:s24] =	ssyncadd.s32 $0xFFFFC000  }
0x6c: {  	[tilespmem:s19], [sflag:$0x3] =	stream.indirect.gather [hbm4b:s4+s16], $0x80, s30, s16, $0xb8;
	[tilespmem:$0x1E800] =	vst v63  }
0x6d: {  	_ =	swait.ge [sflag:s20], $0x4000  }
0x6e: {  	p0 =	seq.s32 s26, $0x0;
	[sflag:s20] =	ssyncset.done $0x0  }
.Ltmp4:
0x6f: {  	s31 =	sadd.s32 $0x2780, s28;
	[sflag:s20] =	ssyncadd.s32 $0xFFFFC000;
	(pc) =	sbr.rel @p0 .LBB2_7-.Ltmp4, $4  }
0x70: {  	[spmem:s1] =	stream.indirect.scatter.add.f32 [tilespmem:s19], [sflag:$0x4], $0x80, s31, s16, $0xb8;
	[tilespmem:$0x1E800] =	vst v63  }
0x71: {  	_ =	swait.ge [sflag:s22], $0x4000  }
0x72: {  	[sflag:s22] =	ssyncset.done $0x0  }
0x73: {  	[sflag:s22] =	ssyncadd.s32 $0xFFFFC000  }
.Ltmp5:
0x74: {  	(pc) =	sbr.rel .LBB2_5-.Ltmp5, $3  }
0x75: {  	_ =	sdelay $0x1  }
0x76: {  	s28 =	sadd.s32 $0x1400, s28;
	s26 =	sadd.s32 $0x400, s26  }
0x77: {  	[tilespmem:s17], [sflag:$0x1] =	stream.indirect.gather [hbm4b:s4+s16], $0x80, s28, s16, $0xb8;
	[tilespmem:$0x1E800] =	vst v63  }
.LBB2_8:
0x78: {  	_ =	sfence.sel $0x180000  }
0x79: {  	[bflag:$0x0] =	sbarrier.arrive $0xFFFF  }
0x7a: {  	p0 =	sne.s32 s2, $0x0;
	_ =	strace $0x9000004A  }
0x7b: {  	s0 =	sadd.s32 @!p0 $0x100000, s0;
	[bflag:$0x2] =	sbarrier.arrive $0xFFFF  }
0x7c: {  	[sflag:s0] =	ssyncadd.tile.s32 @!p0 $0x1;
	_ =	shalt  }
.Lfunc_end2:
_tile_overlayer_lowered:
.L_overlay_start_2:
0x7d: {  	(tag) =	ssettag $0x2  }
0x7e: {  	s0 =	rddreg [dreg:$0x0];
	s2 =	stileid.u32  }
0x7f: {  	s1 =	rddreg [dreg:$0x1];
	p0 =	sne.s32 s2, $0x0  }
0x80: {  	s3 =	rddreg [dreg:$0x2];
	[bflag:$0x3] =	sbarrier.arrive $0xFFFF;
	s2 =	simm.s32 @!p0 $0x1C05  }
0x81: {  	[timem:s3], [sflag:s2] =	dma.local @!p0 [hbm:s0], s1  }
0x82: {  	s0 =	simm.s32 @!p0 $0x5  }
0x83: {  	_ =	swait.ge @!p0 [sflag:s0], s1  }
0x84: {  	s1 =	ssub.s32 @!p0 $0x0, s1;
	[sflag:s0] =	ssyncset.done @!p0 $0x0  }
0x85: {  	[sflag:s0] =	ssyncadd.s32 @!p0 s1  }
0x86: {  	[bflag:$0x3] =	sbarrier.arrive $0xFFFF  }
0x87: {  	_ =	shalt  }

// kernel: sage_segsum_sc_deg.3.cloned.1.call-start
scs
__scs_entry_jumppad:
0x0: {  	(pc) =	sbr.rel $0x88, $3  }
0x1: {  	(tag) =	ssettag $0x0;
	lr =	simm.s32 $0x1  }
0x2: {  	[smem:$0x3F91] =	sst lr;
	_ =	strace $0xD0000000  }
0x3: {  	_ = 	snop  }
0x4: {  	_ = 	snop  }
0x5: {  	_ = 	snop  }
0x6: {  	_ = 	snop  }
0x7: {  	_ = 	snop  }
__scs_overlays_trampoline_lowered:
0x8: {  	[smem:$0x3FA0] =	sst s0  }
0x9: {  	[smem:$0x3FA1] =	sst s1  }
0xa: {  	[smem:$0x3FA2] =	sst s2  }
0xb: {  	[smem:$0x3FA3] =	sst s3  }
0xc: {  	[smem:$0x3FA4] =	sst s4  }
0xd: {  	[smem:$0x3FA5] =	sst s5  }
0xe: {  	[smem:$0x3FA6] =	sst s6  }
0xf: {  	[smem:$0x3FA7] =	sst s7  }
0x10: {  	[smem:$0x3FA8] =	sst s8  }
0x11: {  	[smem:$0x3FA9] =	sst s9;
	s0 =	simm.s32 @!p0 $0x0  }
0x12: {  	s1 =	sld [smem:$0x3F8F];
	s0 =	simm.s32 @p0 $0x1  }
0x13: {  	[smem:$0x3FAA] =	sst s0;
	s0 =	simm.s32 @!p1 $0x0  }
0x14: {  	s2 =	sld [smem:$0x3F8E];
	s0 =	simm.s32 @p1 $0x1  }
0x15: {  	[smem:$0x3FAB] =	sst s0;
	s0 =	simm.s32 @!p2 $0x0  }
0x16: {  	s3 =	sld [smem:$0x3FDB];
	s0 =	simm.s32 @p2 $0x1  }
0x17: {  	s4 =	simm.s32 $0x1BF5;
	[smem:$0x3FAD] =	sst s0  }
0x18: {  	s0 =	sld [smem:$0x3F90];
	_ =	swait.ge [sflag:s4], $0x0  }
0x19: {  	s7 =	sld [smem:$0x3F91]  }
0x1a: {  	s8 =	sadd.s32 $0xFFFFE003, lr  }
0x1b: {  	s9 =	sadd.s32 $0xFFFFFEF7, lr;
	s5 =	simm.s32 $0xFFFFFFFF;
	p2 =	slt.u32 s8, $0xFFFFF086  }
0x1c: {  	p1 =	slt.u32 s9, $0xF7A;
	s5 =	simm.s32 @!p2 $0x0  }
0x1d: {  	s5 =	simm.s32 @p1 $0x1;
	p0 =	seq.s32 s7, s2  }
0x1e: {  	s7 =	smul.u32 @!p0 $0xF7A, s2;
	p2 =	seq.s32 @!p0 s5, $0x0  }
0x1f: {  	s9 =	smul.u32 $0xF7A, s1;
	s8 =	simm.s32 @!p0 $0x1BF5;
	p2 =	por !p2, p0  }
0x20: {  	[sflag:s8] =	ssyncset.s32 @!p0 $0xFFFFF086;
	s6 =	sadd.s32 @!p0 s3, s7;
	s7 =	simm.s32 @!p0 $0x108  }
0x21: {  	s3 =	sadd.s32 s3, s9;
	s6 =	sadd.s32 @!p0 $0x88, s6;
	s7 =	simm.s32 @p2 $0x1082  }
0x22: {  	[simem:s7], [sflag:s8] =	dma.local @!p0 [hbm:s6], $0xF7A  }
0x23: {  	s9 =	sor.u32 $0xD0000000, s2;
	s6 =	simm.s32 $0x108;
	_ =	swait.ge @!p0 [sflag:s8], $0x0  }
0x24: {  	s3 =	sadd.s32 $0x88, s3;
	s6 =	simm.s32 @!p1 $0x1082;
	[sflag:s4] =	ssyncset.s32 $0xFFFFF086  }
0x25: {  	[simem:s6], [sflag:s4] =	dma.local [hbm:s3], $0xF7A  }
0x26: {  	[smem:$0x3F91] =	sst s1;
	(tag) =	ssettag s2;
	_ =	strace s9  }
0x27: {  	s1 =	sld [smem:$0x3FA1]  }
0x28: {  	s2 =	sld [smem:$0x3FA2]  }
0x29: {  	s4 =	sld [smem:$0x3FA4]  }
0x2a: {  	p0 =	seq.s32 s5, $0x0;
	s5 =	sld [smem:$0x3FA5]  }
0x2b: {  	s6 =	sld [smem:$0x3FA6]  }
0x2c: {  	s7 =	sld [smem:$0x3FA7]  }
0x2d: {  	s3 =	simm.s32 $0x108;
	s8 =	sld [smem:$0x3FA8]  }
0x2e: {  	s3 =	simm.s32 @!p0 $0x1082;
	s9 =	sld [smem:$0x3FA9]  }
0x2f: {  	lr =	sadd.s32 s0, s3;
	s0 =	sld [smem:$0x3FA0]  }
0x30: {  	s3 =	sld [smem:$0x3FA3]  }
0x31: {  	[smem:$0x3FAC] =	sst s10  }
0x32: {  	s10 =	sld [smem:$0x3FAA];
	_ =	sdelay $0x3  }
0x33: {  	p0 =	seq.s32 s10, $0x1;
	s10 =	sld [smem:$0x3FAC];
	_ =	sdelay $0x3  }
0x34: {  	[smem:$0x3FAC] =	sst s10  }
0x35: {  	s10 =	sld [smem:$0x3FAB];
	_ =	sdelay $0x3  }
0x36: {  	p1 =	seq.s32 s10, $0x1;
	s10 =	sld [smem:$0x3FAC];
	_ =	sdelay $0x3  }
0x37: {  	[smem:$0x3FAC] =	sst s10  }
0x38: {  	s10 =	sld [smem:$0x3FAD]  }
0x39: {  	_ = 	snop;
	(pc) =	sbr.ind lr, $3  }
0x3a: {  	_ = 	snop  }
0x3b: {  	_ = 	snop  }
0x3c: {  	p2 =	seq.s32 s10, $0x1;
	s10 =	sld [smem:$0x3FAC]  }
0x3d: {  	_ =	shalt  }
0x3e: {  	_ =	shalt  }
0x3f: {  	_ =	shalt  }
0x40: {  	_ =	shalt  }
0x41: {  	_ =	shalt  }
0x42: {  	_ =	shalt  }
0x43: {  	_ =	shalt  }
0x44: {  	_ =	shalt  }
0x45: {  	_ =	shalt  }
0x46: {  	_ =	shalt  }
0x47: {  	_ =	shalt  }
0x48: {  	_ =	shalt  }
0x49: {  	_ =	shalt  }
0x4a: {  	_ =	shalt  }
0x4b: {  	_ =	shalt  }
0x4c: {  	_ =	shalt  }
0x4d: {  	_ =	shalt  }
0x4e: {  	_ =	shalt  }
0x4f: {  	_ =	shalt  }
0x50: {  	_ =	shalt  }
0x51: {  	_ =	shalt  }
0x52: {  	_ =	shalt  }
0x53: {  	_ =	shalt  }
0x54: {  	_ =	shalt  }
0x55: {  	_ =	shalt  }
0x56: {  	_ =	shalt  }
0x57: {  	_ =	shalt  }
0x58: {  	_ =	shalt  }
0x59: {  	_ =	shalt  }
0x5a: {  	_ =	shalt  }
0x5b: {  	_ =	shalt  }
0x5c: {  	_ =	shalt  }
0x5d: {  	_ =	shalt  }
0x5e: {  	_ =	shalt  }
0x5f: {  	_ =	shalt  }
0x60: {  	_ =	shalt  }
0x61: {  	_ =	shalt  }
0x62: {  	_ =	shalt  }
0x63: {  	_ =	shalt  }
0x64: {  	_ =	shalt  }
0x65: {  	_ =	shalt  }
0x66: {  	_ =	shalt  }
0x67: {  	_ =	shalt  }
0x68: {  	_ =	shalt  }
0x69: {  	_ =	shalt  }
0x6a: {  	_ =	shalt  }
0x6b: {  	_ =	shalt  }
0x6c: {  	_ =	shalt  }
0x6d: {  	_ =	shalt  }
0x6e: {  	_ =	shalt  }
0x6f: {  	_ =	shalt  }
0x70: {  	_ =	shalt  }
0x71: {  	_ =	shalt  }
0x72: {  	_ =	shalt  }
0x73: {  	_ =	shalt  }
0x74: {  	_ =	shalt  }
0x75: {  	_ =	shalt  }
0x76: {  	_ =	shalt  }
0x77: {  	_ =	shalt  }
0x78: {  	_ =	shalt  }
0x79: {  	_ =	shalt  }
0x7a: {  	_ =	shalt  }
0x7b: {  	_ =	shalt  }
0x7c: {  	_ =	shalt  }
0x7d: {  	_ =	shalt  }
0x7e: {  	_ =	shalt  }
0x7f: {  	_ =	shalt  }
0x80: {  	_ =	shalt  }
0x81: {  	_ =	shalt  }
0x82: {  	_ =	shalt  }
0x83: {  	_ =	shalt  }
0x84: {  	_ =	shalt  }
0x85: {  	_ =	shalt  }
0x86: {  	_ =	shalt  }
0x87: {  	_ =	shalt  }
.Lfunc_end0:
.L_simem_size_0:
called_computation_lowered:
.L_overlay_start_0:
0x88: {  	s2 =	sld [smem:$0x3FD9]  }
0x89: {  	s3 =	sld [smem:$0x3FFE];
	_ =	sdelay $0x1  }
0x8a: {  	s1 =	srdreg.scid  }
0x8b: {  	s0 =	sand.u32 $0x1, s1  }
0x8c: {  	s17 =	sshll.u32 s0, $0xA;
	s2 =	sadd.s32 s3, s2  }
0x8d: {  	s2 =	sadd.s32 s2, s17  }
0x8e: {  	[smem:$0x3FB8] =	sst s2  }
0x8f: {  	_ = 	snop  }
0x90: {  	s2 =	sld [smem:$0x3FD0];
	(tm) =	ssettm $0x1  }
0x91: {  	s18 =	sld [smem:$0x3FFB];
	_ =	sdelay $0x3  }
0x92: {  	_ =	strace s18  }
0x93: {  	s3 =	sld [smem:$0x3FFC];
	_ =	sdelay $0x3  }
0x94: {  	_ =	strace s3  }
0x95: {  	s3 =	sld [smem:$0x3FFD];
	_ =	sdelay $0x3  }
0x96: {  	_ =	strace s3  }
0x97: {  	_ =	strace $0x8FFFFFFF  }
0x98: {  	s19 =	sld [smem:$0x3FDB];
	_ =	sdelay $0x1  }
0x99: {  	s4 =	simm.s32 $_scs_section_size  }
0x9a: {  	s5 =	simm.s32 $_size__tile_overlayer_lowered;
	s6 =	simm.s32 $_tile_overlayer_lowered  }
0x9b: {  	s22 =	simm.s32 $0x1BFF;
	s21 =	sshll.u32 s6, $0x1;
	s3 =	sadd.s32 s4, s19  }
0x9c: {  	s7 =	simm.s32 $0x0;
	s20 =	sshll.u32 s5, $0x1;
	s5 =	sadd.s32 s21, s3  }
0x9d: {  	[timem:s7], [sflag:s22] =	dma.local [hbm:s5], s20  }
0x9e: {  	_ =	swait.ge [sflag:s22], s20  }
0x9f: {  	s4 =	ssub.s32 $0x0, s20;
	[sflag:s22] =	ssyncset.done $0x0  }
0xa0: {  	[sflag:s22] =	ssyncadd.s32 s4;
	_ =	sdelay $0x1  }
0xa1: {  	s23 =	simm.s32 $0x1B8B  }
0xa2: {  	_ =	swait.ge [sflag:s23], $0x1  }
0xa3: {  	[sflag:s23] =	ssyncset.done $0x0  }
0xa4: {  	s25 =	simm.s32 $0x1B8E;
	s24 =	sld [smem:$0x3FFE];
	[sflag:s23] =	ssyncadd.s32 $0xFFFFFFFF  }
0xa5: {  	s26 =	simm.s32 $execute0_lowered;
	[smem:$0x3FD2] =	sst s25  }
0xa6: {  	s5 =	sshll.u32 s26, $0x1;
	_ =	strace $0x80000046;
	[dreg:$0x1] =	wrdreg $0xFFFFFFFF  }
0xa7: {  	s28 =	simm.s32 $_size_execute0_lowered;
	s3 =	sadd.s32 s3, s5;
	[dreg:$0x0] =	wrdreg $0x0  }
0xa8: {  	s5 =	sshll.u32 s28, $0x1;
	[dreg:$0x2] =	wrdreg s3  }
0xa9: {  	[dreg:$0x3] =	wrdreg s5  }
0xaa: {  	[dreg:$0x4] =	wrdreg $0xC0  }
0xab: {  	_ =	task [dreg:s7], $0x5FFFF  }
0xac: {  	[dreg:$0x1] =	wrdreg $0xFFFFFFFF  }
0xad: {  	[dreg:$0x0] =	wrdreg $0x60  }
0xae: {  	[dreg:$0x2] =	wrdreg s24  }
0xaf: {  	[dreg:$0x3] =	wrdreg s2  }
0xb0: {  	[dreg:$0x4] =	wrdreg $0xA8800  }
0xb1: {  	[dreg:$0x5] =	wrdreg $0x1E8800  }
0xb2: {  	[dreg:$0x6] =	wrdreg $0x9  }
0xb3: {  	_ =	task.clear_ibuf [dreg:s7], $0x7FFFF;
	_ =	strace $0x90000046  }
0xb4: {  	s29 =	simm.s32 $0x9;
	_ =	strace $0x80000048  }
0xb5: {  	_ =	swait.ge [sflag:s29], $0x1  }
0xb6: {  	[sflag:s29] =	ssyncadd.s32 $0xFFFFFFFF  }
0xb7: {  	_ =	strace $0x90000048  }
0xb8: {  	_ =	sfence  }
0xb9: {  	s30 =	sld [smem:$0x0];
	_ =	sdelay $0x2  }
0xba: {  	s31 =	sshll.u32 s1, $0xD;
	s1 =	sshrl.u32 s1, $0x2  }
0xbb: {  	s3 =	sand.u32 $0x4000, s31;
	s1 =	sadd.s32 s1, s30  }
0xbc: {  	s0 =	sor.u32 s3, s0;
	s1 =	sshll.u32 s1, $0x11  }
0xbd: {  	s0 =	sor.u32 s1, s0  }
0xbe: {  	s0 =	sadd.s32 $0x8F2B, s0  }
0xbf: {  	[sflag:s0] =	ssyncadd.remote.s32 $0x1  }
0xc0: {  	_ =	sfence.sel $0xFFFF  }
0xc1: {  	[dreg:$0x0] =	wrdreg $0xFFFFFFFF;
	(pc) =	sbr.abs _section_cstart, $3  }
0xc2: {  	[dreg:$0x1] =	wrdreg $0xFFFFFFFF  }
0xc3: {  	_ =	task.clear_ibuf [dreg:s7], $0x2FFFF;
	_ =	strace $0x9FFFFFFF  }
0xc4: {  	(tm) =	ssettm $0x7FFFFFFF  }
0xc5: {  	_ =	shalt  }
tec
execute0_lowered:
.L_overlay_start_1:
0x0: {  	(tag) =	ssettag $0x1  }
0x1: {  	s0 =	rddreg [dreg:$0x0]  }
0x2: {  	s3 =	rddreg [dreg:$0x2];
	s1 =	srdreg.scid  }
0x3: {  	s4 =	rddreg [dreg:$0x3];
	s14 =	stileid.u32  }
0x4: {  	s5 =	simm.s32 $0x0;
	s17 =	simm.s32 $0x6;
	s28 =	simm.s32 $0x2  }
0x5: {  	s29 =	simm.s32 $0x100;
	s30 =	simm.s32 $0x5;
	s31 =	simm.s32 $0x4  }
0x6: {  	s1 =	sand.u32 $0x1, s1;
	s7 =	smul.u32 $0x14000, s14;
	[smem:$0x7FF] =	sst s5  }
0x7: {  	s8 =	smul.u32 $0x500, s14;
	s6 =	sadd.s32 $0x3800, s0;
	s11 =	sadd.s32 $0x2B800, s0  }
0x8: {  	s12 =	sadd.s32 $0x35800, s0;
	s19 =	sadd.s32 $0x3F800, s0;
	s10 =	smul.u32 $0x50000, s14  }
0x9: {  	s21 =	sshll.u32 s14, $0x1;
	s22 =	smul.u32 $0xA00, s14;
	s25 =	sshll.u32 s14, $0x6  }
0xa: {  	s2 =	smul.u32 $0x140000, s1;
	_ =	strace $0x80000047;
	s9 =	sshll.u32 s1, $0x7  }
0xb: {  	[dreg:$0x5] =	wrdreg s19;
	s20 =	ssub.s32 $0x2, s1;
	s1 =	sor.u32 s1, s21  }
0xc: {  	s19 =	simm.s32 $0x1400;
	s21 =	simm.s32 $0x2800;
	s18 =	sor.u32 s9, s8  }
0xd: {  	s13 =	sshrl.u32 s20, $0x1;
	s23 =	sshrl.u32 s10, $0x2;
	s24 =	smul.u32 $0x2800, s1  }
0xe: {  	s1 =	smul.u32 $0x500, s1;
	s9 =	sshrl.u32 s22, $0x2;
	s22 =	simm.s32 $0x1  }
0xf: {  	s2 =	sadd.s32 s7, s2;
	s8 =	sshrl.u32 s18, $0x3;
	s15 =	ssub.s32 s20, s13  }
0x10: {  	s16 =	sadd.s32 s23, s3;
	s18 =	sadd.s32 s9, s4;
	s20 =	simm.s32 $0x80  }
0x11: {  	s23 =	simm.s32 $0xA800;
	s2 =	sshrl.u32 s2, $0x3;
	s10 =	sshrl.u32 s24, $0x3  }
0x12: {  	s9 =	sadd.s32 s11, s1;
	s15 =	smax.u32 s15, $0x1;
	s16 =	sshrl.u32 s16, $0x3  }
.Ltmp0:
0x13: {  	s18 =	sshrl.u32 s18, $0x3;
	s24 =	simm.s32 $0x6800;
	(pc) =	sbr.rel .LBB2_1-.Ltmp0, $4  }
0x14: {  	s2 =	sadd.s32 s2, s0;
	s0 =	sadd.s32 s8, s0;
	s8 =	sor.u32 $0x1C06, s25  }
0x15: {  	s26 =	sadd.s32 $0x280, s10;
	s10 =	sadd.s32 s12, s1;
	s25 =	simm.s32 $0x3  }
0x16: {  	s11 =	sadd.s32 s11, s26;
	s12 =	sadd.s32 s12, s26;
	s13 =	sadd.s32 $0x42000, s2  }
0x17: {  	v0 =	vimm.f32 $1.000000000e+00;
	s14 =	sadd.s32 $0x92000, s0;
	s26 =	simm.s32 $0x1480;
	s0 =	simm.s32 $0x0  }
.LBB2_7:
0x18: {  	_ =	swait.ge [sflag:s30], $0x80  }
0x19: {  	[sflag:s30] =	ssyncset.done $0x0  }
0x1a: {  	[sflag:s30] =	ssyncadd.s32 $0xFFFFFF80  }
0x1b: {  	_ =	swait.ge [sflag:s31], $0x4000  }
0x1c: {  	[sflag:s31] =	ssyncset.done $0x0  }
0x1d: {  	[sflag:s31] =	ssyncadd.s32 $0xFFFFC000  }
0x1e: {  	_ =	swait.ge [sflag:s30], $0x80  }
0x1f: {  	[sflag:s30] =	ssyncset.done $0x0  }
0x20: {  	[sflag:s30] =	ssyncadd.s32 $0xFFFFFF80  }
0x21: {  	[bflag:$0x0] =	sbarrier.arrive $0xFFFF  }
0x22: {  	[hbm:s13], [sflag:s8] =	dma.local [spmem:s16], $0x2800  }
0x23: {  	s0 =	sadd.s32 $0x1, s0;
	_ =	swait.ge [sflag:s17], $0x2800  }
0x24: {  	s1 =	simm.s32 $0x20;
	p0 =	sne.s32 s0, s15;
	[sflag:s17] =	ssyncset.done $0x0  }
.Ltmp1:
0x25: {  	s2 =	simm.s32 $0x10;
	[sflag:s17] =	ssyncadd.s32 $0xFFFFD800;
	(pc) =	sbr.rel @!p0 .LBB2_8-.Ltmp1, $4  }
0x26: {  	[hbm:s14@s1], [sflag:s8] =	dma.strided [spmem:s18@s2], $0x50, s22, $0x10   }
0x27: {  	_ =	swait.ge [sflag:s17], $0x50  }
0x28: {  	[sflag:s17] =	ssyncset.done $0x0  }
0x29: {  	[sflag:s17] =	ssyncadd.s32 $0xFFFFFFB0  }
.LBB2_1:
0x2a: {  	s1 =	rddreg [dreg:$0x5]  }
0x2b: {  	[spmem:s16], [sflag:s8] =	dma.local [hbm:s1], $0x2800  }
0x2c: {  	_ =	swait.ge [sflag:s17], $0x2800  }
0x2d: {  	[sflag:s17] =	ssyncset.done $0x0  }
0x2e: {  	[sflag:s17] =	ssyncadd.s32 $0xFFFFD800  }
0x2f: {  	s7 =	rddreg [dreg:$0x1]  }
0x30: {  	[spmem:s18], [sflag:s8] =	dma.local [hbm:s7], $0x50  }
0x31: {  	_ =	swait.ge [sflag:s17], $0x50  }
0x32: {  	[sflag:s17] =	ssyncset.done $0x0  }
0x33: {  	[sflag:s17] =	ssyncadd.s32 $0xFFFFFFB0  }
0x34: {  	[tilespmem:$0xA800] =	vst v0  }
0x35: {  	[tilespmem:$0xA810] =	vst v0  }
0x36: {  	[tilespmem:$0xA820] =	vst v0  }
0x37: {  	[tilespmem:$0xA830] =	vst v0  }
0x38: {  	[tilespmem:$0xA840] =	vst v0  }
0x39: {  	[tilespmem:$0xA850] =	vst v0  }
0x3a: {  	[tilespmem:$0xA860] =	vst v0  }
0x3b: {  	[tilespmem:$0xA870] =	vst v0  }
0x3c: {  	[bflag:$0x0] =	sbarrier.arrive $0xFFFF  }
0x3d: {  	[tilespmem:s5], [sflag:$0x6] =	stream.linear.gather [hbm4b:s9+s5], $0x1400, $0x38;
	[tilespmem:$0x1EB00] =	vst v63  }
0x3e: {  	_ =	swait.ge [sflag:s17], $0x1400  }
0x3f: {  	[sflag:s17] =	ssyncset.done $0x0  }
0x40: {  	[sflag:s17] =	ssyncadd.s32 $0xFFFFEC00  }
0x41: {  	[tilespmem:s19], [sflag:$0x6] =	stream.linear.gather [hbm4b:s10+s5], $0x1400, $0x38;
	[tilespmem:$0x1EB00] =	vst v63  }
0x42: {  	_ =	swait.ge [sflag:s17], $0x1400  }
0x43: {  	[sflag:s17] =	ssyncset.done $0x0  }
0x44: {  	[sflag:s17] =	ssyncadd.s32 $0xFFFFEC00  }
0x45: {  	[tilespmem:s21], [sflag:$0x1] =	stream.indirect.gather [hbm4b:s6+s20], $0x80, s5, s20, $0xb8;
	[tilespmem:$0x1EB00] =	vst v63  }
0x46: {  	_ =	swait.ge [sflag:s22], $0x4000  }
0x47: {  	[sflag:s22] =	ssyncset.done $0x0  }
0x48: {  	[sflag:s22] =	ssyncadd.s32 $0xFFFFC000  }
0x49: {  	[spmem:s3] =	stream.indirect.scatter.add.f32 [tilespmem:s21], [sflag:$0x2], $0x80, s19, s20, $0xb8;
	[tilespmem:$0x1EB00] =	vst v63  }
0x4a: {  	_ = 	snop  }
0x4b: {  	[spmem:s4] =	stream.indirect.scatter.add.f32 [tilespmem:s23], [sflag:$0x5], $0x1, s19, s20, $0xb8;
	[tilespmem:$0x1EB00] =	vst v63  }
0x4c: {  	_ = 	snop  }
0x4d: {  	[tilespmem:s24], [sflag:$0x3] =	stream.indirect.gather [hbm4b:s6+s20], $0x80, s20, s20, $0xb8;
	[tilespmem:$0x1EB00] =	vst v63  }
0x4e: {  	_ =	swait.ge [sflag:s25], $0x4000  }
0x4f: {  	[sflag:s25] =	ssyncset.done $0x0  }
0x50: {  	[sflag:s25] =	ssyncadd.s32 $0xFFFFC000  }
0x51: {  	[spmem:s3] =	stream.indirect.scatter.add.f32 [tilespmem:s24], [sflag:$0x4], $0x80, s26, s20, $0xb8;
	[tilespmem:$0x1EB00] =	vst v63  }
0x52: {  	_ = 	snop  }
0x53: {  	[spmem:s4] =	stream.indirect.scatter.add.f32 [tilespmem:s23], [sflag:$0x5], $0x1, s26, s20, $0xb8;
	[tilespmem:$0x1EB00] =	vst v63  }
0x54: {  	_ =	swait.ge [sflag:s28], $0x4000  }
0x55: {  	[sflag:s28] =	ssyncset.done $0x0  }
0x56: {  	s1 =	simm.s32 $0xFFFFB800;
	[sflag:s28] =	ssyncadd.s32 $0xFFFFC000  }
0x57: {  	[tilespmem:s21], [sflag:$0x1] =	stream.indirect.gather [hbm4b:s6+s20], $0x80, s29, s20, $0xb8;
	[tilespmem:$0x1EB00] =	vst v63  }
.LBB2_2:
0x58: {  	_ =	swait.ge [sflag:s22], $0x4000  }
0x59: {  	s2 =	sshra.s32 s1, $0x2;
	[sflag:s22] =	ssyncset.done $0x0  }
0x5a: {  	s7 =	sadd.s32 $0x2700, s2;
	[sflag:s22] =	ssyncadd.s32 $0xFFFFC000  }
0x5b: {  	[spmem:s3] =	stream.indirect.scatter.add.f32 [tilespmem:s21], [sflag:$0x2], $0x80, s7, s20, $0xb8;
	[tilespmem:$0x1EB00] =	vst v63  }
0x5c: {  	_ = 	snop  }
0x5d: {  	[spmem:s4] =	stream.indirect.scatter.add.f32 [tilespmem:s23], [sflag:$0x5], $0x1, s7, s20, $0xb8;
	[tilespmem:$0x1EB00] =	vst v63  }
0x5e: {  	_ =	swait.ge [sflag:s30], $0x80  }
0x5f: {  	[sflag:s30] =	ssyncset.done $0x0  }
0x60: {  	[sflag:s30] =	ssyncadd.s32 $0xFFFFFF80  }
0x61: {  	_ =	swait.ge [sflag:s31], $0x4000  }
0x62: {  	[sflag:s31] =	ssyncset.done $0x0  }
0x63: {  	s7 =	sadd.s32 $0x1380, s2;
	[sflag:s31] =	ssyncadd.s32 $0xFFFFC000  }
0x64: {  	[tilespmem:s24], [sflag:$0x3] =	stream.indirect.gather [hbm4b:s6+s20], $0x80, s7, s20, $0xb8;
	[tilespmem:$0x1EB00] =	vst v63  }
0x65: {  	_ =	swait.ge [sflag:s25], $0x4000  }
0x66: {  	[sflag:s25] =	ssyncset.done $0x0  }
0x67: {  	s7 =	sadd.s32 $0x2780, s2;
	[sflag:s25] =	ssyncadd.s32 $0xFFFFC000  }
0x68: {  	[spmem:s3] =	stream.indirect.scatter.add.f32 [tilespmem:s24], [sflag:$0x4], $0x80, s7, s20, $0xb8;
	[tilespmem:$0x1EB00] =	vst v63  }
0x69: {  	_ = 	snop  }
0x6a: {  	[spmem:s4] =	stream.indirect.scatter.add.f32 [tilespmem:s23], [sflag:$0x5], $0x1, s7, s20, $0xb8;
	[tilespmem:$0x1EB00] =	vst v63  }
0x6b: {  	p0 =	seq.s32 s1, $0x0;
	_ =	swait.ge [sflag:s30], $0x80  }
.Ltmp2:
0x6c: {  	[sflag:s30] =	ssyncset.done $0x0;
	(pc) =	sbr.rel @p0 .LBB2_4-.Ltmp2, $4  }
0x6d: {  	[sflag:s30] =	ssyncadd.s32 $0xFFFFFF80  }
0x6e: {  	_ =	swait.ge [sflag:s28], $0x4000  }
0x6f: {  	[sflag:s28] =	ssyncset.done $0x0  }
0x70: {  	[sflag:s28] =	ssyncadd.s32 $0xFFFFC000  }
.Ltmp3:
0x71: {  	(pc) =	sbr.rel .LBB2_2-.Ltmp3, $3  }
0x72: {  	_ =	sdelay $0x1  }
0x73: {  	s2 =	sadd.s32 $0x1400, s2;
	s1 =	sadd.s32 $0x400, s1  }
0x74: {  	[tilespmem:s21], [sflag:$0x1] =	stream.indirect.gather [hbm4b:s6+s20], $0x80, s2, s20, $0xb8;
	[tilespmem:$0x1EB00] =	vst v63  }
.LBB2_4:
0x75: {  	_ =	swait.ge [sflag:s30], $0x80  }
0x76: {  	[sflag:s30] =	ssyncset.done $0x0  }
0x77: {  	[sflag:s30] =	ssyncadd.s32 $0xFFFFFF80  }
0x78: {  	_ =	swait.ge [sflag:s31], $0x4000  }
0x79: {  	[sflag:s31] =	ssyncset.done $0x0  }
0x7a: {  	[sflag:s31] =	ssyncadd.s32 $0xFFFFC000  }
0x7b: {  	_ =	swait.ge [sflag:s30], $0x80  }
0x7c: {  	[sflag:s30] =	ssyncset.done $0x0  }
0x7d: {  	[sflag:s30] =	ssyncadd.s32 $0xFFFFFF80  }
0x7e: {  	[tilespmem:s5], [sflag:$0x6] =	stream.linear.gather [hbm4b:s11+s5], $0x1400, $0x38;
	[tilespmem:$0x1EB00] =	vst v63  }
0x7f: {  	_ =	swait.ge [sflag:s17], $0x1400  }
0x80: {  	[sflag:s17] =	ssyncset.done $0x0  }
0x81: {  	[sflag:s17] =	ssyncadd.s32 $0xFFFFEC00  }
0x82: {  	[tilespmem:s19], [sflag:$0x6] =	stream.linear.gather [hbm4b:s12+s5], $0x1400, $0x38;
	[tilespmem:$0x1EB00] =	vst v63  }
0x83: {  	_ =	swait.ge [sflag:s17], $0x1400  }
0x84: {  	[sflag:s17] =	ssyncset.done $0x0  }
0x85: {  	[sflag:s17] =	ssyncadd.s32 $0xFFFFEC00  }
0x86: {  	[tilespmem:s21], [sflag:$0x1] =	stream.indirect.gather [hbm4b:s6+s20], $0x80, s5, s20, $0xb8;
	[tilespmem:$0x1EB00] =	vst v63  }
0x87: {  	_ =	swait.ge [sflag:s22], $0x4000  }
0x88: {  	[sflag:s22] =	ssyncset.done $0x0  }
0x89: {  	[sflag:s22] =	ssyncadd.s32 $0xFFFFC000  }
0x8a: {  	[spmem:s3] =	stream.indirect.scatter.add.f32 [tilespmem:s21], [sflag:$0x2], $0x80, s19, s20, $0xb8;
	[tilespmem:$0x1EB00] =	vst v63  }
0x8b: {  	_ = 	snop  }
0x8c: {  	[spmem:s4] =	stream.indirect.scatter.add.f32 [tilespmem:s23], [sflag:$0x5], $0x1, s19, s20, $0xb8;
	[tilespmem:$0x1EB00] =	vst v63  }
0x8d: {  	_ = 	snop  }
0x8e: {  	[tilespmem:s24], [sflag:$0x3] =	stream.indirect.gather [hbm4b:s6+s20], $0x80, s20, s20, $0xb8;
	[tilespmem:$0x1EB00] =	vst v63  }
0x8f: {  	_ =	swait.ge [sflag:s25], $0x4000  }
0x90: {  	[sflag:s25] =	ssyncset.done $0x0  }
0x91: {  	[sflag:s25] =	ssyncadd.s32 $0xFFFFC000  }
0x92: {  	[spmem:s3] =	stream.indirect.scatter.add.f32 [tilespmem:s24], [sflag:$0x4], $0x80, s26, s20, $0xb8;
	[tilespmem:$0x1EB00] =	vst v63  }
0x93: {  	_ = 	snop  }
0x94: {  	[spmem:s4] =	stream.indirect.scatter.add.f32 [tilespmem:s23], [sflag:$0x5], $0x1, s26, s20, $0xb8;
	[tilespmem:$0x1EB00] =	vst v63  }
0x95: {  	_ =	swait.ge [sflag:s28], $0x4000  }
0x96: {  	[sflag:s28] =	ssyncset.done $0x0  }
0x97: {  	s1 =	simm.s32 $0xFFFFB800;
	[sflag:s28] =	ssyncadd.s32 $0xFFFFC000  }
0x98: {  	[tilespmem:s21], [sflag:$0x1] =	stream.indirect.gather [hbm4b:s6+s20], $0x80, s29, s20, $0xb8;
	[tilespmem:$0x1EB00] =	vst v63  }
.LBB2_5:
0x99: {  	_ =	swait.ge [sflag:s22], $0x4000  }
0x9a: {  	s2 =	sshra.s32 s1, $0x2;
	[sflag:s22] =	ssyncset.done $0x0  }
0x9b: {  	s7 =	sadd.s32 $0x2700, s2;
	[sflag:s22] =	ssyncadd.s32 $0xFFFFC000  }
0x9c: {  	[spmem:s3] =	stream.indirect.scatter.add.f32 [tilespmem:s21], [sflag:$0x2], $0x80, s7, s20, $0xb8;
	[tilespmem:$0x1EB00] =	vst v63  }
0x9d: {  	_ = 	snop  }
0x9e: {  	[spmem:s4] =	stream.indirect.scatter.add.f32 [tilespmem:s23], [sflag:$0x5], $0x1, s7, s20, $0xb8;
	[tilespmem:$0x1EB00] =	vst v63  }
0x9f: {  	_ =	swait.ge [sflag:s30], $0x80  }
0xa0: {  	[sflag:s30] =	ssyncset.done $0x0  }
0xa1: {  	[sflag:s30] =	ssyncadd.s32 $0xFFFFFF80  }
0xa2: {  	_ =	swait.ge [sflag:s31], $0x4000  }
0xa3: {  	[sflag:s31] =	ssyncset.done $0x0  }
0xa4: {  	s7 =	sadd.s32 $0x1380, s2;
	[sflag:s31] =	ssyncadd.s32 $0xFFFFC000  }
0xa5: {  	[tilespmem:s24], [sflag:$0x3] =	stream.indirect.gather [hbm4b:s6+s20], $0x80, s7, s20, $0xb8;
	[tilespmem:$0x1EB00] =	vst v63  }
0xa6: {  	_ =	swait.ge [sflag:s25], $0x4000  }
0xa7: {  	[sflag:s25] =	ssyncset.done $0x0  }
0xa8: {  	s7 =	sadd.s32 $0x2780, s2;
	[sflag:s25] =	ssyncadd.s32 $0xFFFFC000  }
0xa9: {  	[spmem:s3] =	stream.indirect.scatter.add.f32 [tilespmem:s24], [sflag:$0x4], $0x80, s7, s20, $0xb8;
	[tilespmem:$0x1EB00] =	vst v63  }
0xaa: {  	_ = 	snop  }
0xab: {  	[spmem:s4] =	stream.indirect.scatter.add.f32 [tilespmem:s23], [sflag:$0x5], $0x1, s7, s20, $0xb8;
	[tilespmem:$0x1EB00] =	vst v63  }
0xac: {  	p0 =	seq.s32 s1, $0x0;
	_ =	swait.ge [sflag:s30], $0x80  }
.Ltmp4:
0xad: {  	[sflag:s30] =	ssyncset.done $0x0;
	(pc) =	sbr.rel @p0 .LBB2_7-.Ltmp4, $4  }
0xae: {  	[sflag:s30] =	ssyncadd.s32 $0xFFFFFF80  }
0xaf: {  	_ =	swait.ge [sflag:s28], $0x4000  }
0xb0: {  	[sflag:s28] =	ssyncset.done $0x0  }
0xb1: {  	[sflag:s28] =	ssyncadd.s32 $0xFFFFC000  }
.Ltmp5:
0xb2: {  	(pc) =	sbr.rel .LBB2_5-.Ltmp5, $3  }
0xb3: {  	_ =	sdelay $0x1  }
0xb4: {  	s2 =	sadd.s32 $0x1400, s2;
	s1 =	sadd.s32 $0x400, s1  }
0xb5: {  	[tilespmem:s21], [sflag:$0x1] =	stream.indirect.gather [hbm4b:s6+s20], $0x80, s2, s20, $0xb8;
	[tilespmem:$0x1EB00] =	vst v63  }
.LBB2_8:
0xb6: {  	_ =	sfence.sel $0x180000  }
0xb7: {  	[bflag:$0x0] =	sbarrier.arrive $0xFFFF  }
0xb8: {  	_ =	strace $0x90000047  }
0xb9: {  	s0 =	stileid.u32;
	[bflag:$0x2] =	sbarrier.arrive $0xFFFF  }
0xba: {  	p0 =	sne.s32 s0, $0x0;
	s0 =	rddreg [dreg:$0x4]  }
0xbb: {  	s0 =	sadd.s32 @!p0 $0x100000, s0  }
0xbc: {  	[sflag:s0] =	ssyncadd.tile.s32 @!p0 $0x1;
	_ =	shalt  }
.Lfunc_end2:
_tile_overlayer_lowered:
.L_overlay_start_2:
0xbd: {  	(tag) =	ssettag $0x2  }
0xbe: {  	s0 =	rddreg [dreg:$0x0];
	s2 =	stileid.u32  }
0xbf: {  	s1 =	rddreg [dreg:$0x1];
	p0 =	sne.s32 s2, $0x0  }
0xc0: {  	s3 =	rddreg [dreg:$0x2];
	[bflag:$0x3] =	sbarrier.arrive $0xFFFF;
	s2 =	simm.s32 @!p0 $0x1C06  }
0xc1: {  	[timem:s3], [sflag:s2] =	dma.local @!p0 [hbm:s0], s1  }
0xc2: {  	s0 =	simm.s32 @!p0 $0x6  }
0xc3: {  	_ =	swait.ge @!p0 [sflag:s0], s1  }
0xc4: {  	s1 =	ssub.s32 @!p0 $0x0, s1;
	[sflag:s0] =	ssyncset.done @!p0 $0x0  }
0xc5: {  	[sflag:s0] =	ssyncadd.s32 @!p0 s1  }
0xc6: {  	[bflag:$0x3] =	sbarrier.arrive $0xFFFF  }
0xc7: {  	_ =	shalt  }

</sc_bundles>
